<compile_context>
chip_gen: v7x
topology: tpu7x:2x2x1
jax: 0.10.2.dev20260603
libtpu: 0.0.44.dev20260713+nightly
codegen_flags: <defaults>
</compile_context>

<pallas_src>
import jax
import jax.numpy as jnp
from jax import lax
from jax.experimental import pallas as pl
from jax.experimental.pallas import tpu as pltpu
from jax.experimental.pallas import tpu_sc as plsc

N_NODES = 10000
N_EDGES = 320000
F = 128

NC = 2
NS = 16
NW = NC * NS
PER_TILE = N_EDGES // NW

CH = 80



def _zt_body(x_ref, w_ref, b_ref, o_ref):
    o_ref[...] = (
        jnp.dot(x_ref[...], w_ref[...], preferred_element_type=jnp.float32)
        + b_ref[...]
    )


def _q_body(ea_ref, b_ref, o_ref):
    o_ref[...] = jnp.dot(
        ea_ref[...], b_ref[...], preferred_element_type=jnp.float32
    )


def _node_body(x_ref, s_ref, c_ref, d_ref, c3_ref, o_ref):
    msg = s_ref[0] + s_ref[1]
    o_ref[...] = (
        jnp.dot(x_ref[...], c_ref[...], preferred_element_type=jnp.float32)
        + jnp.dot(msg, d_ref[...], preferred_element_type=jnp.float32)
        + c3_ref[...]
    )



def _fused_body(table_hbm, q_hbm, src_hbm, dst_hbm, zero_hbm, e_hbm, msg_hbm,
                sidx, didx, rows, gbuf, acc, sin, sg, swr, ssc):
    c = lax.axis_index("c")
    s = lax.axis_index("s")
    base = (s * NC + c) * PER_TILE
    nring = len(rows)

    @pl.when(s == 0)
    def _():
        pltpu.sync_copy(zero_hbm, acc)

    plsc.subcore_barrier()

    def start_chunk(off, b):
        di = pltpu.async_copy(src_hbm.at[pl.ds(off, CH)], sidx[b], sin[b])
        dd = pltpu.async_copy(dst_hbm.at[pl.ds(off, CH)], didx[b], sin[b])
        dq = pltpu.async_copy(q_hbm.at[pl.ds(off, CH)], rows[b], sin[b])
        di.wait()
        dg = pltpu.async_copy(table_hbm.at[sidx[b]], gbuf[b], sg[b])
        return dd, dq, dg

    def finish_chunk(off, b, dd, dq, dg):
        dq.wait()
        dg.wait()

        @plsc.parallel_loop(0, CH, 1, unroll=4)
        def _vadd(i):
            for j in range(F // 16):
                sl = pl.ds(j * 16, 16)
                rows[b][i, sl] = rows[b][i, sl] + gbuf[b][i, sl]
        dd.wait()
        dw = pltpu.async_copy(rows[b], e_hbm.at[pl.ds(off, CH)], swr[b])
        ds = pltpu.async_copy(rows[b], acc.at[didx[b]], ssc[b], add=True)
        return dw, ds

    def ring(k, carry):
        offs = [base + (nring * k + b) * CH for b in range(nring)]
        started = [start_chunk(offs[b], b) for b in range(nring)]
        finished = [
            finish_chunk(offs[b], b, *started[b]) for b in range(nring)
        ]
        for dw, ds in finished:
            dw.wait()
            ds.wait()
        return carry

    nring_iters = PER_TILE // (nring * CH)
    lax.fori_loop(0, nring_iters, ring, 0)

    n_tail = (PER_TILE % (nring * CH)) // CH
    for b in range(n_tail):
        off = base + (nring_iters * nring + b) * CH
        dw, ds = finish_chunk(off, b, *start_chunk(off, b))
        dw.wait()
        ds.wait()

    plsc.subcore_barrier()

    @pl.when(s == 0)
    def _():
        pltpu.sync_copy(acc, msg_hbm.at[c])


def _fused_entry(table, q, src, dst, zero, e, msg,
                 i0, i1, d0, d1, r0, r1, g0, g1, acc,
                 n0, n1, a0, a1, w0, w1, s0, s1):
    _fused_body(table, q, src, dst, zero, e, msg,
                [i0, i1], [d0, d1], [r0, r1], [g0, g1], acc,
                [n0, n1], [a0, a1], [w0, w1], [s0, s1])



def kernel(x, edge_index, edge_attr, W_nl1, b_nl1, W_el, b_el, W_nm1, b_nm1,
           W_nm2, b_nm2, W_nl2, b_nl2, W_msg, b_msg, W_em, b_em):
    src = edge_index[0]
    dst = edge_index[1]

    M = W_nm1.T @ W_nm2.T
    c2 = b_nm1 @ W_nm2.T + b_nm2
    A1 = W_nl1.T @ M
    Bw = W_el.T @ M
    bias_z = (b_nl1 + b_el) @ M + c2
    Cw = W_nl2.T @ W_em.T
    Dw = W_msg.T @ W_em.T
    c3 = (b_nl2 + b_msg) @ W_em.T + b_em

    zt = pl.pallas_call(
        _zt_body,
        out_shape=jax.ShapeDtypeStruct((N_NODES, F), jnp.float32),
    )(x, A1, bias_z[None, :])

    EB = 2000
    q = pl.pallas_call(
        _q_body,
        grid=(N_EDGES // EB,),
        in_specs=[
            pl.BlockSpec((EB, F), lambda i: (i, 0)),
            pl.BlockSpec((F, F), lambda i: (0, 0)),
        ],
        out_specs=pl.BlockSpec((EB, F), lambda i: (i, 0)),
        out_shape=jax.ShapeDtypeStruct((N_EDGES, F), jnp.float32),
    )(edge_attr, Bw)

    mesh = plsc.VectorSubcoreMesh(core_axis_name="c", subcore_axis_name="s")
    zeros = jnp.zeros((N_NODES, F), jnp.float32)

    e_new, msgparts = pl.kernel(
        _fused_entry,
        out_type=(
            jax.ShapeDtypeStruct((N_EDGES, F), jnp.float32),
            jax.ShapeDtypeStruct((NC, N_NODES, F), jnp.float32),
        ),
        mesh=mesh,
        scratch_types=[pltpu.VMEM((CH,), jnp.int32)] * 4
        + [pltpu.VMEM((CH, F), jnp.float32)] * 4
        + [pltpu.VMEM_SHARED((N_NODES, F), jnp.float32)]
        + [pltpu.SemaphoreType.DMA] * 8,
        name="sc_fused_edge",
    )(zt, q, src, dst, zeros)

    NB = 2000
    x_new = pl.pallas_call(
        _node_body,
        grid=(N_NODES // NB,),
        in_specs=[
            pl.BlockSpec((NB, F), lambda i: (i, 0)),
            pl.BlockSpec((NC, NB, F), lambda i: (0, i, 0)),
            pl.BlockSpec((F, F), lambda i: (0, 0)),
            pl.BlockSpec((F, F), lambda i: (0, 0)),
            pl.BlockSpec((1, F), lambda i: (0, 0)),
        ],
        out_specs=pl.BlockSpec((NB, F), lambda i: (i, 0)),
        out_shape=jax.ShapeDtypeStruct((N_NODES, F), jnp.float32),
    )(x, msgparts, Cw, Dw, c3[None, :])

    return (e_new, x_new)

# --- scband reference (transcript-rebuilt; emitter-appended) ---
"""Pipeline reference for scband-edge-message-43602507989841 (READ-ONLY COPY).

The authoritative reference and input builder live on the scoring server;
editing this copy changes nothing except your own understanding.
"""

import jax, jax.numpy as jnp
import numpy as np

N_NODES = 10000
N_EDGES = 320000
IN_FEAT = 128
OUT_FEAT = 128


def _lrelu(v):
    # Faithful to source: nn.LeakyReLU(True) sets negative_slope=True == 1.0,
    # which makes the activation the identity map. We keep the same math.
    return jnp.where(v >= 0, v, 1.0 * v)


def _linear(v, W, b):
    return v @ W.T + b


def setup_inputs(seed: int = 0):
    key = jax.random.key(seed)
    ks = jax.random.split(key, 20)

    def w(k, shape, fan_in):
        return (jax.random.uniform(k, shape, dtype=jnp.float32, minval=-1.0, maxval=1.0) / np.sqrt(fan_in)).astype(jnp.float32)

    h = IN_FEAT // 2
    inp = {}
    inp["x"] = jax.random.normal(ks[0], (N_NODES, IN_FEAT), dtype=jnp.float32)
    inp["edge_index"] = jax.random.randint(ks[1], (2, N_EDGES), 0, N_NODES, dtype=jnp.int32)
    inp["edge_attr"] = jax.random.normal(ks[2], (N_EDGES, IN_FEAT), dtype=jnp.float32)
    # node_linear1: Linear(in_feat, in_feat//2)
    inp["W_nl1"] = w(ks[3], (h, IN_FEAT), IN_FEAT); inp["b_nl1"] = w(ks[4], (h,), IN_FEAT)
    # edge_linear: Linear(in_feat, in_feat//2)
    inp["W_el"] = w(ks[5], (h, IN_FEAT), IN_FEAT); inp["b_el"] = w(ks[6], (h,), IN_FEAT)
    # node_mlp (act_first): LeakyReLU, Linear(h, h), LeakyReLU, Linear(h, out_feat)
    inp["W_nm1"] = w(ks[7], (h, h), h); inp["b_nm1"] = w(ks[8], (h,), h)
    inp["W_nm2"] = w(ks[9], (OUT_FEAT, h), h); inp["b_nm2"] = w(ks[10], (OUT_FEAT,), h)
    # node_linear2: Linear(in_feat, in_feat//2)
    inp["W_nl2"] = w(ks[11], (h, IN_FEAT), IN_FEAT); inp["b_nl2"] = w(ks[12], (h,), IN_FEAT)
    # msg_linear: Linear(in_feat, in_feat//2); message dim = out_feat (== in_feat)
    inp["W_msg"] = w(ks[13], (h, OUT_FEAT), OUT_FEAT); inp["b_msg"] = w(ks[14], (h,), OUT_FEAT)
    # edge_mlp (act_first): LeakyReLU, Linear(h, out_feat)
    inp["W_em"] = w(ks[15], (OUT_FEAT, h), h); inp["b_em"] = w(ks[16], (OUT_FEAT,), h)
    return inp


def reference(x, edge_index, edge_attr, W_nl1, b_nl1, W_el, b_el, W_nm1, b_nm1, W_nm2, b_nm2, W_nl2, b_nl2, W_msg, b_msg, W_em, b_em):
    src = edge_index[0]
    dst = edge_index[1]
    # apply_edges: e = node_mlp(node_linear1(src.h) + edge_linear(e))
    h_src = jnp.take(x, src, axis=0)
    t = _linear(h_src, W_nl1, b_nl1) + _linear(edge_attr, W_el, b_el)
    t = _lrelu(t)
    t = _linear(t, W_nm1, b_nm1)
    t = _lrelu(t)
    e_new = _linear(t, W_nm2, b_nm2)
    # update_all(copy_e, sum): message[v] = sum over incoming edges of e
    message = jax.ops.segment_sum(e_new, dst, num_segments=N_NODES)
    # x = edge_mlp(node_linear2(x) + msg_linear(message))
    u = _linear(x, W_nl2, b_nl2) + _linear(message, W_msg, b_msg)
    u = _lrelu(u)
    x_new = _linear(u, W_em, b_em)
    # original returns (g, x): g carries updated edge data 'e'; we return both tensors
    return (e_new, x_new)

if __name__ == "__main__":
    import jax
    _d = setup_inputs()
    print(jax.jit(kernel)(*tuple(_d.values())))

</pallas_src>

<mosaic_0001>
#map = affine_map<(d0, d1) -> (0, 0)>
#map1 = affine_map<(d0, d1) -> (0)>
#map2 = affine_map<(d0, d1) -> (0, 0, 0)>
module attributes {stable_mosaic.version = 14 : i64} {
  func.func @sc_fused_edge(%arg0: i32, %arg1: i32, %arg2: memref<10000x128xf32, #tpu.memory_space<hbm>>, %arg3: memref<320000x128xf32, #tpu.memory_space<hbm>>, %arg4: memref<320000xi32, #tpu.memory_space<hbm>>, %arg5: memref<320000xi32, #tpu.memory_space<hbm>>, %arg6: memref<10000x128xf32, #tpu.memory_space<hbm>>, %arg7: memref<320000x128xf32, #tpu.memory_space<hbm>>, %arg8: memref<2x10000x128xf32, #tpu.memory_space<hbm>>, %arg9: memref<80xi32, #tpu.memory_space<vmem>>, %arg10: memref<80xi32, #tpu.memory_space<vmem>>, %arg11: memref<80xi32, #tpu.memory_space<vmem>>, %arg12: memref<80xi32, #tpu.memory_space<vmem>>, %arg13: memref<80x128xf32, #tpu.memory_space<vmem>>, %arg14: memref<80x128xf32, #tpu.memory_space<vmem>>, %arg15: memref<80x128xf32, #tpu.memory_space<vmem>>, %arg16: memref<80x128xf32, #tpu.memory_space<vmem>>, %arg17: memref<10000x128xf32, #tpu.memory_space<vmem_shared>>, %arg18: memref<!tpu.dma_semaphore, #tpu.memory_space<semaphore_mem>>, %arg19: memref<!tpu.dma_semaphore, #tpu.memory_space<semaphore_mem>>, %arg20: memref<!tpu.dma_semaphore, #tpu.memory_space<semaphore_mem>>, %arg21: memref<!tpu.dma_semaphore, #tpu.memory_space<semaphore_mem>>, %arg22: memref<!tpu.dma_semaphore, #tpu.memory_space<semaphore_mem>>, %arg23: memref<!tpu.dma_semaphore, #tpu.memory_space<semaphore_mem>>, %arg24: memref<!tpu.dma_semaphore, #tpu.memory_space<semaphore_mem>>, %arg25: memref<!tpu.dma_semaphore, #tpu.memory_space<semaphore_mem>>) attributes {dimension_semantics = [#tpu.dimension_semantics<core_parallel>, #tpu.dimension_semantics<subcore_parallel>], iteration_bounds = array<i64: 2, 16>, scalar_prefetch = 0 : i64, scratch_operands = 17 : i64, tpu.core_type = #tpu.core_type<sc_vector_subcore>, window_params = [{transform_indices = #map}, {transform_indices = #map}, {transform_indices = #map1}, {transform_indices = #map1}, {transform_indices = #map}, {transform_indices = #map}, {transform_indices = #map2}]} {
    %mul3A = arith.constant 2 : i32
    %mul3A_0 = arith.muli %arg1, %mul3A : i32
    %add3A = arith.addi %mul3A_0, %arg0 : i32
    %mul3A_1 = arith.constant 10000 : i32
    %mul3A_2 = arith.muli %add3A, %mul3A_1 : i32
    %eq3A = arith.constant 0 : i32
    %eq3A_3 = arith.cmpi eq, %arg1, %eq3A : i32
    %convert_element_type3A = arith.extui %eq3A_3 : i1 to i32
    %cond3A = arith.constant 0 : i32
    %cond3A_4 = arith.cmpi ne, %convert_element_type3A, %cond3A : i32
    scf.if %cond3A_4 {
      "tpu.region"() ({
        %run_scoped3A = tpu.sem_alloc : memref<!tpu.dma_semaphore, #tpu.memory_space<semaphore_mem>>
        tpu.enqueue_dma source(%arg6 : memref<10000x128xf32, #tpu.memory_space<hbm>>) target(%arg17 : memref<10000x128xf32, #tpu.memory_space<vmem_shared>>) target_semaphore(%run_scoped3A : memref<!tpu.dma_semaphore, #tpu.memory_space<semaphore_mem>>)
        tpu.wait_dma2 semaphore(%run_scoped3A : memref<!tpu.dma_semaphore, #tpu.memory_space<semaphore_mem>>) src(%arg6 : memref<10000x128xf32, #tpu.memory_space<hbm>>) dst(%arg17 : memref<10000x128xf32, #tpu.memory_space<vmem_shared>>)
        tpu.yield
      }) : () -> ()
    } else {
    }
    %barrier3A = arith.constant 0 : index
    tpu.barrier barrier_id(%barrier3A)
    %scan3A = arith.constant 0 : i32
    %scan3A_5 = arith.constant 0 : i32
    %scan3A_6 = arith.constant 62 : i32
    %scan3A_7 = arith.addi %scan3A_5, %scan3A_6 : i32
    %scan3A_8 = arith.constant 1 : i32
    scf.for %scan3A_54 = %scan3A_5 to %scan3A_7 step %scan3A_8  : i32 {
      %mul3A_55 = arith.constant 2 : i32
      %mul3A_56 = arith.muli %mul3A_55, %scan3A_54 : i32
      %add3A_57 = arith.constant 0 : i32
      %add3A_58 = arith.addi %mul3A_56, %add3A_57 : i32
      %mul3A_59 = arith.constant 80 : i32
      %mul3A_60 = arith.muli %add3A_58, %mul3A_59 : i32
      %add3A_61 = arith.addi %mul3A_2, %mul3A_60 : i32
      %mul3A_62 = arith.constant 2 : i32
      %mul3A_63 = arith.muli %mul3A_62, %scan3A_54 : i32
      %add3A_64 = arith.constant 1 : i32
      %add3A_65 = arith.addi %mul3A_63, %add3A_64 : i32
      %mul3A_66 = arith.constant 80 : i32
      %mul3A_67 = arith.muli %add3A_65, %mul3A_66 : i32
      %add3A_68 = arith.addi %mul3A_2, %mul3A_67 : i32
      %dma_start3A_69 = tpu.memref_slice %arg4[%add3A_61] : memref<320000xi32, #tpu.memory_space<hbm>> -> memref<80xi32, #tpu.memory_space<hbm>>
      %dma_start3A_70 = tpu.memref_slice %arg4[%add3A_61] : memref<320000xi32, #tpu.memory_space<hbm>> -> memref<80xi32, #tpu.memory_space<hbm>>
      tpu.enqueue_dma source(%dma_start3A_70 : memref<80xi32, #tpu.memory_space<hbm>>) target(%arg9 : memref<80xi32, #tpu.memory_space<vmem>>) target_semaphore(%arg18 : memref<!tpu.dma_semaphore, #tpu.memory_space<semaphore_mem>>)
      %dma_start3A_71 = tpu.memref_slice %arg5[%add3A_61] : memref<320000xi32, #tpu.memory_space<hbm>> -> memref<80xi32, #tpu.memory_space<hbm>>
      %dma_start3A_72 = tpu.memref_slice %arg5[%add3A_61] : memref<320000xi32, #tpu.memory_space<hbm>> -> memref<80xi32, #tpu.memory_space<hbm>>
      tpu.enqueue_dma source(%dma_start3A_72 : memref<80xi32, #tpu.memory_space<hbm>>) target(%arg11 : memref<80xi32, #tpu.memory_space<vmem>>) target_semaphore(%arg18 : memref<!tpu.dma_semaphore, #tpu.memory_space<semaphore_mem>>)
      %dma_start3A_73 = arith.constant 0 : i32
      %dma_start3A_74 = tpu.memref_slice %arg3[%add3A_61, %dma_start3A_73] : memref<320000x128xf32, #tpu.memory_space<hbm>> -> memref<80x128xf32, #tpu.memory_space<hbm>>
      %dma_start3A_75 = arith.constant 0 : i32
      %dma_start3A_76 = tpu.memref_slice %arg3[%add3A_61, %dma_start3A_75] : memref<320000x128xf32, #tpu.memory_space<hbm>> -> memref<80x128xf32, #tpu.memory_space<hbm>>
      tpu.enqueue_dma source(%dma_start3A_76 : memref<80x128xf32, #tpu.memory_space<hbm>>) target(%arg13 : memref<80x128xf32, #tpu.memory_space<vmem>>) target_semaphore(%arg18 : memref<!tpu.dma_semaphore, #tpu.memory_space<semaphore_mem>>)
      %dma_wait3A_77 = tpu.memref_slice %arg4[%add3A_61] : memref<320000xi32, #tpu.memory_space<hbm>> -> memref<80xi32, #tpu.memory_space<hbm>>
      %dma_wait3A_78 = tpu.memref_slice %arg4[%add3A_61] : memref<320000xi32, #tpu.memory_space<hbm>> -> memref<80xi32, #tpu.memory_space<hbm>>
      tpu.wait_dma2 semaphore(%arg18 : memref<!tpu.dma_semaphore, #tpu.memory_space<semaphore_mem>>) src(%dma_wait3A_78 : memref<80xi32, #tpu.memory_space<hbm>>) dst(%arg9 : memref<80xi32, #tpu.memory_space<vmem>>)
      %dma_start3A_79 = arith.constant 0 : i32
      %dma_start3A_80 = arith.constant 0 : i32
      %dma_start3A_81 = tpu.memref_slice %arg2[%dma_start3A_79, %dma_start3A_80] : memref<10000x128xf32, #tpu.memory_space<hbm>> -> memref<10000x128xf32, #tpu.memory_space<hbm>>
      tpu.enqueue_indirect_dma source(%dma_start3A_81 : memref<10000x128xf32, #tpu.memory_space<hbm>>) target(%arg15 : memref<80x128xf32, #tpu.memory_space<vmem>>) offsets(%arg9 : memref<80xi32, #tpu.memory_space<vmem>>) semaphore(%arg20 : memref<!tpu.dma_semaphore, #tpu.memory_space<semaphore_mem>>)
      %dma_start3A_82 = tpu.memref_slice %arg4[%add3A_68] : memref<320000xi32, #tpu.memory_space<hbm>> -> memref<80xi32, #tpu.memory_space<hbm>>
      %dma_start3A_83 = tpu.memref_slice %arg4[%add3A_68] : memref<320000xi32, #tpu.memory_space<hbm>> -> memref<80xi32, #tpu.memory_space<hbm>>
      tpu.enqueue_dma source(%dma_start3A_83 : memref<80xi32, #tpu.memory_space<hbm>>) target(%arg10 : memref<80xi32, #tpu.memory_space<vmem>>) target_semaphore(%arg19 : memref<!tpu.dma_semaphore, #tpu.memory_space<semaphore_mem>>)
      %dma_start3A_84 = tpu.memref_slice %arg5[%add3A_68] : memref<320000xi32, #tpu.memory_space<hbm>> -> memref<80xi32, #tpu.memory_space<hbm>>
      %dma_start3A_85 = tpu.memref_slice %arg5[%add3A_68] : memref<320000xi32, #tpu.memory_space<hbm>> -> memref<80xi32, #tpu.memory_space<hbm>>
      tpu.enqueue_dma source(%dma_start3A_85 : memref<80xi32, #tpu.memory_space<hbm>>) target(%arg12 : memref<80xi32, #tpu.memory_space<vmem>>) target_semaphore(%arg19 : memref<!tpu.dma_semaphore, #tpu.memory_space<semaphore_mem>>)
      %dma_start3A_86 = arith.constant 0 : i32
      %dma_start3A_87 = tpu.memref_slice %arg3[%add3A_68, %dma_start3A_86] : memref<320000x128xf32, #tpu.memory_space<hbm>> -> memref<80x128xf32, #tpu.memory_space<hbm>>
      %dma_start3A_88 = arith.constant 0 : i32
      %dma_start3A_89 = tpu.memref_slice %arg3[%add3A_68, %dma_start3A_88] : memref<320000x128xf32, #tpu.memory_space<hbm>> -> memref<80x128xf32, #tpu.memory_space<hbm>>
      tpu.enqueue_dma source(%dma_start3A_89 : memref<80x128xf32, #tpu.memory_space<hbm>>) target(%arg14 : memref<80x128xf32, #tpu.memory_space<vmem>>) target_semaphore(%arg19 : memref<!tpu.dma_semaphore, #tpu.memory_space<semaphore_mem>>)
      %dma_wait3A_90 = tpu.memref_slice %arg4[%add3A_68] : memref<320000xi32, #tpu.memory_space<hbm>> -> memref<80xi32, #tpu.memory_space<hbm>>
      %dma_wait3A_91 = tpu.memref_slice %arg4[%add3A_68] : memref<320000xi32, #tpu.memory_space<hbm>> -> memref<80xi32, #tpu.memory_space<hbm>>
      tpu.wait_dma2 semaphore(%arg19 : memref<!tpu.dma_semaphore, #tpu.memory_space<semaphore_mem>>) src(%dma_wait3A_91 : memref<80xi32, #tpu.memory_space<hbm>>) dst(%arg10 : memref<80xi32, #tpu.memory_space<vmem>>)
      %dma_start3A_92 = arith.constant 0 : i32
      %dma_start3A_93 = arith.constant 0 : i32
      %dma_start3A_94 = tpu.memref_slice %arg2[%dma_start3A_92, %dma_start3A_93] : memref<10000x128xf32, #tpu.memory_space<hbm>> -> memref<10000x128xf32, #tpu.memory_space<hbm>>
      tpu.enqueue_indirect_dma source(%dma_start3A_94 : memref<10000x128xf32, #tpu.memory_space<hbm>>) target(%arg16 : memref<80x128xf32, #tpu.memory_space<vmem>>) offsets(%arg10 : memref<80xi32, #tpu.memory_space<vmem>>) semaphore(%arg21 : memref<!tpu.dma_semaphore, #tpu.memory_space<semaphore_mem>>)
      %dma_wait3A_95 = arith.constant 0 : i32
      %dma_wait3A_96 = tpu.memref_slice %arg3[%add3A_61, %dma_wait3A_95] : memref<320000x128xf32, #tpu.memory_space<hbm>> -> memref<80x128xf32, #tpu.memory_space<hbm>>
      %dma_wait3A_97 = arith.constant 0 : i32
      %dma_wait3A_98 = tpu.memref_slice %arg3[%add3A_61, %dma_wait3A_97] : memref<320000x128xf32, #tpu.memory_space<hbm>> -> memref<80x128xf32, #tpu.memory_space<hbm>>
      tpu.wait_dma2 semaphore(%arg18 : memref<!tpu.dma_semaphore, #tpu.memory_space<semaphore_mem>>) src(%dma_wait3A_98 : memref<80x128xf32, #tpu.memory_space<hbm>>) dst(%arg13 : memref<80x128xf32, #tpu.memory_space<vmem>>)
      %dma_wait3A_99 = arith.constant 0 : i32
      %dma_wait3A_100 = arith.constant 0 : i32
      %dma_wait3A_101 = tpu.memref_slice %arg2[%dma_wait3A_99, %dma_wait3A_100] : memref<10000x128xf32, #tpu.memory_space<hbm>> -> memref<10000x128xf32, #tpu.memory_space<hbm>>
      tpu.wait_indirect_dma semaphore(%arg20 : memref<!tpu.dma_semaphore, #tpu.memory_space<semaphore_mem>>) src(%dma_wait3A_101 : memref<10000x128xf32, #tpu.memory_space<hbm>>) dst(%arg15 : memref<80x128xf32, #tpu.memory_space<vmem>>)
      %parallel_loop3A_102 = arith.constant 0 : i32
      %parallel_loop3A_103 = arith.constant 80 : i32
      %parallel_loop3A_104 = arith.constant 1 : i32
      scf.for %parallel_loop3A_147 = %parallel_loop3A_102 to %parallel_loop3A_103 step %parallel_loop3A_104  : i32 {
        %parallel_loop3A_148 = arith.index_cast %parallel_loop3A_147 : i32 to index
        %parallel_loop3A_149 = arith.constant 0 : index
        %parallel_loop3A_150 = tpu.vector_load %arg13[%parallel_loop3A_148, %parallel_loop3A_149] {strides = array<i32>} : memref<80x128xf32, #tpu.memory_space<vmem>>, vector<1x16xf32>,
        %parallel_loop3A_151 = vector.shape_cast %parallel_loop3A_150 : vector<1x16xf32> to vector<16xf32>
        %parallel_loop3A_152 = arith.index_cast %parallel_loop3A_147 : i32 to index
        %parallel_loop3A_153 = arith.constant 0 : index
        %parallel_loop3A_154 = tpu.vector_load %arg15[%parallel_loop3A_152, %parallel_loop3A_153] {strides = array<i32>} : memref<80x128xf32, #tpu.memory_space<vmem>>, vector<1x16xf32>,
        %parallel_loop3A_155 = vector.shape_cast %parallel_loop3A_154 : vector<1x16xf32> to vector<16xf32>
        %parallel_loop3A_156 = arith.addf %parallel_loop3A_151, %parallel_loop3A_155 : vector<16xf32>
        %parallel_loop3A_157 = arith.index_cast %parallel_loop3A_147 : i32 to index
        %parallel_loop3A_158 = arith.constant 0 : index
        %parallel_loop3A_159 = tpu.vector_load %arg13[%parallel_loop3A_157, %parallel_loop3A_158] {strides = array<i32>} : memref<80x128xf32, #tpu.memory_space<vmem>>, vector<1x16xf32>,
        %parallel_loop3A_160 = vector.shape_cast %parallel_loop3A_159 : vector<1x16xf32> to vector<16xf32>
        %parallel_loop3A_161 = vector.shape_cast %parallel_loop3A_156 : vector<16xf32> to vector<1x16xf32>
        tpu.vector_store %arg13[%parallel_loop3A_157, %parallel_loop3A_158], %parallel_loop3A_161 {strides = array<i32>} : memref<80x128xf32, #tpu.memory_space<vmem>>, vector<1x16xf32>,
        %parallel_loop3A_162 = arith.index_cast %parallel_loop3A_147 : i32 to index
        %parallel_loop3A_163 = arith.constant 16 : index
        %parallel_loop3A_164 = tpu.vector_load %arg13[%parallel_loop3A_162, %parallel_loop3A_163] {strides = array<i32>} : memref<80x128xf32, #tpu.memory_space<vmem>>, vector<1x16xf32>,
        %parallel_loop3A_165 = vector.shape_cast %parallel_loop3A_164 : vector<1x16xf32> to vector<16xf32>
        %parallel_loop3A_166 = arith.index_cast %parallel_loop3A_147 : i32 to index
        %parallel_loop3A_167 = arith.constant 16 : index
        %parallel_loop3A_168 = tpu.vector_load %arg15[%parallel_loop3A_166, %parallel_loop3A_167] {strides = array<i32>} : memref<80x128xf32, #tpu.memory_space<vmem>>, vector<1x16xf32>,
        %parallel_loop3A_169 = vector.shape_cast %parallel_loop3A_168 : vector<1x16xf32> to vector<16xf32>
        %parallel_loop3A_170 = arith.addf %parallel_loop3A_165, %parallel_loop3A_169 : vector<16xf32>
        %parallel_loop3A_171 = arith.index_cast %parallel_loop3A_147 : i32 to index
        %parallel_loop3A_172 = arith.constant 16 : index
        %parallel_loop3A_173 = tpu.vector_load %arg13[%parallel_loop3A_171, %parallel_loop3A_172] {strides = array<i32>} : memref<80x128xf32, #tpu.memory_space<vmem>>, vector<1x16xf32>,
        %parallel_loop3A_174 = vector.shape_cast %parallel_loop3A_173 : vector<1x16xf32> to vector<16xf32>
        %parallel_loop3A_175 = vector.shape_cast %parallel_loop3A_170 : vector<16xf32> to vector<1x16xf32>
        tpu.vector_store %arg13[%parallel_loop3A_171, %parallel_loop3A_172], %parallel_loop3A_175 {strides = array<i32>} : memref<80x128xf32, #tpu.memory_space<vmem>>, vector<1x16xf32>,
        %parallel_loop3A_176 = arith.index_cast %parallel_loop3A_147 : i32 to index
        %parallel_loop3A_177 = arith.constant 32 : index
        %parallel_loop3A_178 = tpu.vector_load %arg13[%parallel_loop3A_176, %parallel_loop3A_177] {strides = array<i32>} : memref<80x128xf32, #tpu.memory_space<vmem>>, vector<1x16xf32>,
        %parallel_loop3A_179 = vector.shape_cast %parallel_loop3A_178 : vector<1x16xf32> to vector<16xf32>
        %parallel_loop3A_180 = arith.index_cast %parallel_loop3A_147 : i32 to index
        %parallel_loop3A_181 = arith.constant 32 : index
        %parallel_loop3A_182 = tpu.vector_load %arg15[%parallel_loop3A_180, %parallel_loop3A_181] {strides = array<i32>} : memref<80x128xf32, #tpu.memory_space<vmem>>, vector<1x16xf32>,
        %parallel_loop3A_183 = vector.shape_cast %parallel_loop3A_182 : vector<1x16xf32> to vector<16xf32>
        %parallel_loop3A_184 = arith.addf %parallel_loop3A_179, %parallel_loop3A_183 : vector<16xf32>
        %parallel_loop3A_185 = arith.index_cast %parallel_loop3A_147 : i32 to index
        %parallel_loop3A_186 = arith.constant 32 : index
        %parallel_loop3A_187 = tpu.vector_load %arg13[%parallel_loop3A_185, %parallel_loop3A_186] {strides = array<i32>} : memref<80x128xf32, #tpu.memory_space<vmem>>, vector<1x16xf32>,
        %parallel_loop3A_188 = vector.shape_cast %parallel_loop3A_187 : vector<1x16xf32> to vector<16xf32>
        %parallel_loop3A_189 = vector.shape_cast %parallel_loop3A_184 : vector<16xf32> to vector<1x16xf32>
        tpu.vector_store %arg13[%parallel_loop3A_185, %parallel_loop3A_186], %parallel_loop3A_189 {strides = array<i32>} : memref<80x128xf32, #tpu.memory_space<vmem>>, vector<1x16xf32>,
        %parallel_loop3A_190 = arith.index_cast %parallel_loop3A_147 : i32 to index
        %parallel_loop3A_191 = arith.constant 48 : index
        %parallel_loop3A_192 = tpu.vector_load %arg13[%parallel_loop3A_190, %parallel_loop3A_191] {strides = array<i32>} : memref<80x128xf32, #tpu.memory_space<vmem>>, vector<1x16xf32>,
        %parallel_loop3A_193 = vector.shape_cast %parallel_loop3A_192 : vector<1x16xf32> to vector<16xf32>
        %parallel_loop3A_194 = arith.index_cast %parallel_loop3A_147 : i32 to index
        %parallel_loop3A_195 = arith.constant 48 : index
        %parallel_loop3A_196 = tpu.vector_load %arg15[%parallel_loop3A_194, %parallel_loop3A_195] {strides = array<i32>} : memref<80x128xf32, #tpu.memory_space<vmem>>, vector<1x16xf32>,
        %parallel_loop3A_197 = vector.shape_cast %parallel_loop3A_196 : vector<1x16xf32> to vector<16xf32>
        %parallel_loop3A_198 = arith.addf %parallel_loop3A_193, %parallel_loop3A_197 : vector<16xf32>
        %parallel_loop3A_199 = arith.index_cast %parallel_loop3A_147 : i32 to index
        %parallel_loop3A_200 = arith.constant 48 : index
        %parallel_loop3A_201 = tpu.vector_load %arg13[%parallel_loop3A_199, %parallel_loop3A_200] {strides = array<i32>} : memref<80x128xf32, #tpu.memory_space<vmem>>, vector<1x16xf32>,
        %parallel_loop3A_202 = vector.shape_cast %parallel_loop3A_201 : vector<1x16xf32> to vector<16xf32>
        %parallel_loop3A_203 = vector.shape_cast %parallel_loop3A_198 : vector<16xf32> to vector<1x16xf32>
        tpu.vector_store %arg13[%parallel_loop3A_199, %parallel_loop3A_200], %parallel_loop3A_203 {strides = array<i32>} : memref<80x128xf32, #tpu.memory_space<vmem>>, vector<1x16xf32>,
        %parallel_loop3A_204 = arith.index_cast %parallel_loop3A_147 : i32 to index
        %parallel_loop3A_205 = arith.constant 64 : index
        %parallel_loop3A_206 = tpu.vector_load %arg13[%parallel_loop3A_204, %parallel_loop3A_205] {strides = array<i32>} : memref<80x128xf32, #tpu.memory_space<vmem>>, vector<1x16xf32>,
        %parallel_loop3A_207 = vector.shape_cast %parallel_loop3A_206 : vector<1x16xf32> to vector<16xf32>
        %parallel_loop3A_208 = arith.index_cast %parallel_loop3A_147 : i32 to index
        %parallel_loop3A_209 = arith.constant 64 : index
        %parallel_loop3A_210 = tpu.vector_load %arg15[%parallel_loop3A_208, %parallel_loop3A_209] {strides = array<i32>} : memref<80x128xf32, #tpu.memory_space<vmem>>, vector<1x16xf32>,
        %parallel_loop3A_211 = vector.shape_cast %parallel_loop3A_210 : vector<1x16xf32> to vector<16xf32>
        %parallel_loop3A_212 = arith.addf %parallel_loop3A_207, %parallel_loop3A_211 : vector<16xf32>
        %parallel_loop3A_213 = arith.index_cast %parallel_loop3A_147 : i32 to index
        %parallel_loop3A_214 = arith.constant 64 : index
        %parallel_loop3A_215 = tpu.vector_load %arg13[%parallel_loop3A_213, %parallel_loop3A_214] {strides = array<i32>} : memref<80x128xf32, #tpu.memory_space<vmem>>, vector<1x16xf32>,
        %parallel_loop3A_216 = vector.shape_cast %parallel_loop3A_215 : vector<1x16xf32> to vector<16xf32>
        %parallel_loop3A_217 = vector.shape_cast %parallel_loop3A_212 : vector<16xf32> to vector<1x16xf32>
        tpu.vector_store %arg13[%parallel_loop3A_213, %parallel_loop3A_214], %parallel_loop3A_217 {strides = array<i32>} : memref<80x128xf32, #tpu.memory_space<vmem>>, vector<1x16xf32>,
        %parallel_loop3A_218 = arith.index_cast %parallel_loop3A_147 : i32 to index
        %parallel_loop3A_219 = arith.constant 80 : index
        %parallel_loop3A_220 = tpu.vector_load %arg13[%parallel_loop3A_218, %parallel_loop3A_219] {strides = array<i32>} : memref<80x128xf32, #tpu.memory_space<vmem>>, vector<1x16xf32>,
        %parallel_loop3A_221 = vector.shape_cast %parallel_loop3A_220 : vector<1x16xf32> to vector<16xf32>
        %parallel_loop3A_222 = arith.index_cast %parallel_loop3A_147 : i32 to index
        %parallel_loop3A_223 = arith.constant 80 : index
        %parallel_loop3A_224 = tpu.vector_load %arg15[%parallel_loop3A_222, %parallel_loop3A_223] {strides = array<i32>} : memref<80x128xf32, #tpu.memory_space<vmem>>, vector<1x16xf32>,
        %parallel_loop3A_225 = vector.shape_cast %parallel_loop3A_224 : vector<1x16xf32> to vector<16xf32>
        %parallel_loop3A_226 = arith.addf %parallel_loop3A_221, %parallel_loop3A_225 : vector<16xf32>
        %parallel_loop3A_227 = arith.index_cast %parallel_loop3A_147 : i32 to index
        %parallel_loop3A_228 = arith.constant 80 : index
        %parallel_loop3A_229 = tpu.vector_load %arg13[%parallel_loop3A_227, %parallel_loop3A_228] {strides = array<i32>} : memref<80x128xf32, #tpu.memory_space<vmem>>, vector<1x16xf32>,
        %parallel_loop3A_230 = vector.shape_cast %parallel_loop3A_229 : vector<1x16xf32> to vector<16xf32>
        %parallel_loop3A_231 = vector.shape_cast %parallel_loop3A_226 : vector<16xf32> to vector<1x16xf32>
        tpu.vector_store %arg13[%parallel_loop3A_227, %parallel_loop3A_228], %parallel_loop3A_231 {strides = array<i32>} : memref<80x128xf32, #tpu.memory_space<vmem>>, vector<1x16xf32>,
        %parallel_loop3A_232 = arith.index_cast %parallel_loop3A_147 : i32 to index
        %parallel_loop3A_233 = arith.constant 96 : index
        %parallel_loop3A_234 = tpu.vector_load %arg13[%parallel_loop3A_232, %parallel_loop3A_233] {strides = array<i32>} : memref<80x128xf32, #tpu.memory_space<vmem>>, vector<1x16xf32>,
        %parallel_loop3A_235 = vector.shape_cast %parallel_loop3A_234 : vector<1x16xf32> to vector<16xf32>
        %parallel_loop3A_236 = arith.index_cast %parallel_loop3A_147 : i32 to index
        %parallel_loop3A_237 = arith.constant 96 : index
        %parallel_loop3A_238 = tpu.vector_load %arg15[%parallel_loop3A_236, %parallel_loop3A_237] {strides = array<i32>} : memref<80x128xf32, #tpu.memory_space<vmem>>, vector<1x16xf32>,
        %parallel_loop3A_239 = vector.shape_cast %parallel_loop3A_238 : vector<1x16xf32> to vector<16xf32>
        %parallel_loop3A_240 = arith.addf %parallel_loop3A_235, %parallel_loop3A_239 : vector<16xf32>
        %parallel_loop3A_241 = arith.index_cast %parallel_loop3A_147 : i32 to index
        %parallel_loop3A_242 = arith.constant 96 : index
        %parallel_loop3A_243 = tpu.vector_load %arg13[%parallel_loop3A_241, %parallel_loop3A_242] {strides = array<i32>} : memref<80x128xf32, #tpu.memory_space<vmem>>, vector<1x16xf32>,
        %parallel_loop3A_244 = vector.shape_cast %parallel_loop3A_243 : vector<1x16xf32> to vector<16xf32>
        %parallel_loop3A_245 = vector.shape_cast %parallel_loop3A_240 : vector<16xf32> to vector<1x16xf32>
        tpu.vector_store %arg13[%parallel_loop3A_241, %parallel_loop3A_242], %parallel_loop3A_245 {strides = array<i32>} : memref<80x128xf32, #tpu.memory_space<vmem>>, vector<1x16xf32>,
        %parallel_loop3A_246 = arith.index_cast %parallel_loop3A_147 : i32 to index
        %parallel_loop3A_247 = arith.constant 112 : index
        %parallel_loop3A_248 = tpu.vector_load %arg13[%parallel_loop3A_246, %parallel_loop3A_247] {strides = array<i32>} : memref<80x128xf32, #tpu.memory_space<vmem>>, vector<1x16xf32>,
        %parallel_loop3A_249 = vector.shape_cast %parallel_loop3A_248 : vector<1x16xf32> to vector<16xf32>
        %parallel_loop3A_250 = arith.index_cast %parallel_loop3A_147 : i32 to index
        %parallel_loop3A_251 = arith.constant 112 : index
        %parallel_loop3A_252 = tpu.vector_load %arg15[%parallel_loop3A_250, %parallel_loop3A_251] {strides = array<i32>} : memref<80x128xf32, #tpu.memory_space<vmem>>, vector<1x16xf32>,
        %parallel_loop3A_253 = vector.shape_cast %parallel_loop3A_252 : vector<1x16xf32> to vector<16xf32>
        %parallel_loop3A_254 = arith.addf %parallel_loop3A_249, %parallel_loop3A_253 : vector<16xf32>
        %parallel_loop3A_255 = arith.index_cast %parallel_loop3A_147 : i32 to index
        %parallel_loop3A_256 = arith.constant 112 : index
        %parallel_loop3A_257 = tpu.vector_load %arg13[%parallel_loop3A_255, %parallel_loop3A_256] {strides = array<i32>} : memref<80x128xf32, #tpu.memory_space<vmem>>, vector<1x16xf32>,
        %parallel_loop3A_258 = vector.shape_cast %parallel_loop3A_257 : vector<1x16xf32> to vector<16xf32>
        %parallel_loop3A_259 = vector.shape_cast %parallel_loop3A_254 : vector<16xf32> to vector<1x16xf32>
        tpu.vector_store %arg13[%parallel_loop3A_255, %parallel_loop3A_256], %parallel_loop3A_259 {strides = array<i32>} : memref<80x128xf32, #tpu.memory_space<vmem>>, vector<1x16xf32>,
      } {sc.loop_unroll_factor = 4 : i64, sc.parallel_access}
      %dma_wait3A_105 = tpu.memref_slice %arg5[%add3A_61] : memref<320000xi32, #tpu.memory_space<hbm>> -> memref<80xi32, #tpu.memory_space<hbm>>
      %dma_wait3A_106 = tpu.memref_slice %arg5[%add3A_61] : memref<320000xi32, #tpu.memory_space<hbm>> -> memref<80xi32, #tpu.memory_space<hbm>>
      tpu.wait_dma2 semaphore(%arg18 : memref<!tpu.dma_semaphore, #tpu.memory_space<semaphore_mem>>) src(%dma_wait3A_106 : memref<80xi32, #tpu.memory_space<hbm>>) dst(%arg11 : memref<80xi32, #tpu.memory_space<vmem>>)
      %dma_start3A_107 = arith.constant 0 : i32
      %dma_start3A_108 = tpu.memref_slice %arg7[%add3A_61, %dma_start3A_107] : memref<320000x128xf32, #tpu.memory_space<hbm>> -> memref<80x128xf32, #tpu.memory_space<hbm>>
      %dma_start3A_109 = arith.constant 0 : i32
      %dma_start3A_110 = tpu.memref_slice %arg7[%add3A_61, %dma_start3A_109] : memref<320000x128xf32, #tpu.memory_space<hbm>> -> memref<80x128xf32, #tpu.memory_space<hbm>>
      tpu.enqueue_dma source(%arg13 : memref<80x128xf32, #tpu.memory_space<vmem>>) target(%dma_start3A_110 : memref<80x128xf32, #tpu.memory_space<hbm>>) target_semaphore(%arg22 : memref<!tpu.dma_semaphore, #tpu.memory_space<semaphore_mem>>)
      %dma_start3A_111 = arith.constant 0 : i32
      %dma_start3A_112 = arith.constant 0 : i32
      %dma_start3A_113 = tpu.memref_slice %arg17[%dma_start3A_111, %dma_start3A_112] : memref<10000x128xf32, #tpu.memory_space<vmem_shared>> -> memref<10000x128xf32, #tpu.memory_space<vmem_shared>>
      tpu.enqueue_indirect_dma source(%arg13 : memref<80x128xf32, #tpu.memory_space<vmem>>) target(%dma_start3A_113 : memref<10000x128xf32, #tpu.memory_space<vmem_shared>>) offsets(%arg11 : memref<80xi32, #tpu.memory_space<vmem>>) semaphore(%arg24 : memref<!tpu.dma_semaphore, #tpu.memory_space<semaphore_mem>>) {add = true}
      %dma_wait3A_114 = arith.constant 0 : i32
      %dma_wait3A_115 = tpu.memref_slice %arg3[%add3A_68, %dma_wait3A_114] : memref<320000x128xf32, #tpu.memory_space<hbm>> -> memref<80x128xf32, #tpu.memory_space<hbm>>
      %dma_wait3A_116 = arith.constant 0 : i32
      %dma_wait3A_117 = tpu.memref_slice %arg3[%add3A_68, %dma_wait3A_116] : memref<320000x128xf32, #tpu.memory_space<hbm>> -> memref<80x128xf32, #tpu.memory_space<hbm>>
      tpu.wait_dma2 semaphore(%arg19 : memref<!tpu.dma_semaphore, #tpu.memory_space<semaphore_mem>>) src(%dma_wait3A_117 : memref<80x128xf32, #tpu.memory_space<hbm>>) dst(%arg14 : memref<80x128xf32, #tpu.memory_space<vmem>>)
      %dma_wait3A_118 = arith.constant 0 : i32
      %dma_wait3A_119 = arith.constant 0 : i32
      %dma_wait3A_120 = tpu.memref_slice %arg2[%dma_wait3A_118, %dma_wait3A_119] : memref<10000x128xf32, #tpu.memory_space<hbm>> -> memref<10000x128xf32, #tpu.memory_space<hbm>>
      tpu.wait_indirect_dma semaphore(%arg21 : memref<!tpu.dma_semaphore, #tpu.memory_space<semaphore_mem>>) src(%dma_wait3A_120 : memref<10000x128xf32, #tpu.memory_space<hbm>>) dst(%arg16 : memref<80x128xf32, #tpu.memory_space<vmem>>)
      %parallel_loop3A_121 = arith.constant 0 : i32
      %parallel_loop3A_122 = arith.constant 80 : i32
      %parallel_loop3A_123 = arith.constant 1 : i32
      scf.for %parallel_loop3A_147 = %parallel_loop3A_121 to %parallel_loop3A_122 step %parallel_loop3A_123  : i32 {
        %parallel_loop3A_148 = arith.index_cast %parallel_loop3A_147 : i32 to index
        %parallel_loop3A_149 = arith.constant 0 : index
        %parallel_loop3A_150 = tpu.vector_load %arg14[%parallel_loop3A_148, %parallel_loop3A_149] {strides = array<i32>} : memref<80x128xf32, #tpu.memory_space<vmem>>, vector<1x16xf32>,
        %parallel_loop3A_151 = vector.shape_cast %parallel_loop3A_150 : vector<1x16xf32> to vector<16xf32>
        %parallel_loop3A_152 = arith.index_cast %parallel_loop3A_147 : i32 to index
        %parallel_loop3A_153 = arith.constant 0 : index
        %parallel_loop3A_154 = tpu.vector_load %arg16[%parallel_loop3A_152, %parallel_loop3A_153] {strides = array<i32>} : memref<80x128xf32, #tpu.memory_space<vmem>>, vector<1x16xf32>,
        %parallel_loop3A_155 = vector.shape_cast %parallel_loop3A_154 : vector<1x16xf32> to vector<16xf32>
        %parallel_loop3A_156 = arith.addf %parallel_loop3A_151, %parallel_loop3A_155 : vector<16xf32>
        %parallel_loop3A_157 = arith.index_cast %parallel_loop3A_147 : i32 to index
        %parallel_loop3A_158 = arith.constant 0 : index
        %parallel_loop3A_159 = tpu.vector_load %arg14[%parallel_loop3A_157, %parallel_loop3A_158] {strides = array<i32>} : memref<80x128xf32, #tpu.memory_space<vmem>>, vector<1x16xf32>,
        %parallel_loop3A_160 = vector.shape_cast %parallel_loop3A_159 : vector<1x16xf32> to vector<16xf32>
        %parallel_loop3A_161 = vector.shape_cast %parallel_loop3A_156 : vector<16xf32> to vector<1x16xf32>
        tpu.vector_store %arg14[%parallel_loop3A_157, %parallel_loop3A_158], %parallel_loop3A_161 {strides = array<i32>} : memref<80x128xf32, #tpu.memory_space<vmem>>, vector<1x16xf32>,
        %parallel_loop3A_162 = arith.index_cast %parallel_loop3A_147 : i32 to index
        %parallel_loop3A_163 = arith.constant 16 : index
        %parallel_loop3A_164 = tpu.vector_load %arg14[%parallel_loop3A_162, %parallel_loop3A_163] {strides = array<i32>} : memref<80x128xf32, #tpu.memory_space<vmem>>, vector<1x16xf32>,
        %parallel_loop3A_165 = vector.shape_cast %parallel_loop3A_164 : vector<1x16xf32> to vector<16xf32>
        %parallel_loop3A_166 = arith.index_cast %parallel_loop3A_147 : i32 to index
        %parallel_loop3A_167 = arith.constant 16 : index
        %parallel_loop3A_168 = tpu.vector_load %arg16[%parallel_loop3A_166, %parallel_loop3A_167] {strides = array<i32>} : memref<80x128xf32, #tpu.memory_space<vmem>>, vector<1x16xf32>,
        %parallel_loop3A_169 = vector.shape_cast %parallel_loop3A_168 : vector<1x16xf32> to vector<16xf32>
        %parallel_loop3A_170 = arith.addf %parallel_loop3A_165, %parallel_loop3A_169 : vector<16xf32>
        %parallel_loop3A_171 = arith.index_cast %parallel_loop3A_147 : i32 to index
        %parallel_loop3A_172 = arith.constant 16 : index
        %parallel_loop3A_173 = tpu.vector_load %arg14[%parallel_loop3A_171, %parallel_loop3A_172] {strides = array<i32>} : memref<80x128xf32, #tpu.memory_space<vmem>>, vector<1x16xf32>,
        %parallel_loop3A_174 = vector.shape_cast %parallel_loop3A_173 : vector<1x16xf32> to vector<16xf32>
        %parallel_loop3A_175 = vector.shape_cast %parallel_loop3A_170 : vector<16xf32> to vector<1x16xf32>
        tpu.vector_store %arg14[%parallel_loop3A_171, %parallel_loop3A_172], %parallel_loop3A_175 {strides = array<i32>} : memref<80x128xf32, #tpu.memory_space<vmem>>, vector<1x16xf32>,
        %parallel_loop3A_176 = arith.index_cast %parallel_loop3A_147 : i32 to index
        %parallel_loop3A_177 = arith.constant 32 : index
        %parallel_loop3A_178 = tpu.vector_load %arg14[%parallel_loop3A_176, %parallel_loop3A_177] {strides = array<i32>} : memref<80x128xf32, #tpu.memory_space<vmem>>, vector<1x16xf32>,
        %parallel_loop3A_179 = vector.shape_cast %parallel_loop3A_178 : vector<1x16xf32> to vector<16xf32>
        %parallel_loop3A_180 = arith.index_cast %parallel_loop3A_147 : i32 to index
        %parallel_loop3A_181 = arith.constant 32 : index
        %parallel_loop3A_182 = tpu.vector_load %arg16[%parallel_loop3A_180, %parallel_loop3A_181] {strides = array<i32>} : memref<80x128xf32, #tpu.memory_space<vmem>>, vector<1x16xf32>,
        %parallel_loop3A_183 = vector.shape_cast %parallel_loop3A_182 : vector<1x16xf32> to vector<16xf32>
        %parallel_loop3A_184 = arith.addf %parallel_loop3A_179, %parallel_loop3A_183 : vector<16xf32>
        %parallel_loop3A_185 = arith.index_cast %parallel_loop3A_147 : i32 to index
        %parallel_loop3A_186 = arith.constant 32 : index
        %parallel_loop3A_187 = tpu.vector_load %arg14[%parallel_loop3A_185, %parallel_loop3A_186] {strides = array<i32>} : memref<80x128xf32, #tpu.memory_space<vmem>>, vector<1x16xf32>,
        %parallel_loop3A_188 = vector.shape_cast %parallel_loop3A_187 : vector<1x16xf32> to vector<16xf32>
        %parallel_loop3A_189 = vector.shape_cast %parallel_loop3A_184 : vector<16xf32> to vector<1x16xf32>
        tpu.vector_store %arg14[%parallel_loop3A_185, %parallel_loop3A_186], %parallel_loop3A_189 {strides = array<i32>} : memref<80x128xf32, #tpu.memory_space<vmem>>, vector<1x16xf32>,
        %parallel_loop3A_190 = arith.index_cast %parallel_loop3A_147 : i32 to index
        %parallel_loop3A_191 = arith.constant 48 : index
        %parallel_loop3A_192 = tpu.vector_load %arg14[%parallel_loop3A_190, %parallel_loop3A_191] {strides = array<i32>} : memref<80x128xf32, #tpu.memory_space<vmem>>, vector<1x16xf32>,
        %parallel_loop3A_193 = vector.shape_cast %parallel_loop3A_192 : vector<1x16xf32> to vector<16xf32>
        %parallel_loop3A_194 = arith.index_cast %parallel_loop3A_147 : i32 to index
        %parallel_loop3A_195 = arith.constant 48 : index
        %parallel_loop3A_196 = tpu.vector_load %arg16[%parallel_loop3A_194, %parallel_loop3A_195] {strides = array<i32>} : memref<80x128xf32, #tpu.memory_space<vmem>>, vector<1x16xf32>,
        %parallel_loop3A_197 = vector.shape_cast %parallel_loop3A_196 : vector<1x16xf32> to vector<16xf32>
        %parallel_loop3A_198 = arith.addf %parallel_loop3A_193, %parallel_loop3A_197 : vector<16xf32>
        %parallel_loop3A_199 = arith.index_cast %parallel_loop3A_147 : i32 to index
        %parallel_loop3A_200 = arith.constant 48 : index
        %parallel_loop3A_201 = tpu.vector_load %arg14[%parallel_loop3A_199, %parallel_loop3A_200] {strides = array<i32>} : memref<80x128xf32, #tpu.memory_space<vmem>>, vector<1x16xf32>,
        %parallel_loop3A_202 = vector.shape_cast %parallel_loop3A_201 : vector<1x16xf32> to vector<16xf32>
        %parallel_loop3A_203 = vector.shape_cast %parallel_loop3A_198 : vector<16xf32> to vector<1x16xf32>
        tpu.vector_store %arg14[%parallel_loop3A_199, %parallel_loop3A_200], %parallel_loop3A_203 {strides = array<i32>} : memref<80x128xf32, #tpu.memory_space<vmem>>, vector<1x16xf32>,
        %parallel_loop3A_204 = arith.index_cast %parallel_loop3A_147 : i32 to index
        %parallel_loop3A_205 = arith.constant 64 : index
        %parallel_loop3A_206 = tpu.vector_load %arg14[%parallel_loop3A_204, %parallel_loop3A_205] {strides = array<i32>} : memref<80x128xf32, #tpu.memory_space<vmem>>, vector<1x16xf32>,
        %parallel_loop3A_207 = vector.shape_cast %parallel_loop3A_206 : vector<1x16xf32> to vector<16xf32>
        %parallel_loop3A_208 = arith.index_cast %parallel_loop3A_147 : i32 to index
        %parallel_loop3A_209 = arith.constant 64 : index
        %parallel_loop3A_210 = tpu.vector_load %arg16[%parallel_loop3A_208, %parallel_loop3A_209] {strides = array<i32>} : memref<80x128xf32, #tpu.memory_space<vmem>>, vector<1x16xf32>,
        %parallel_loop3A_211 = vector.shape_cast %parallel_loop3A_210 : vector<1x16xf32> to vector<16xf32>
        %parallel_loop3A_212 = arith.addf %parallel_loop3A_207, %parallel_loop3A_211 : vector<16xf32>
        %parallel_loop3A_213 = arith.index_cast %parallel_loop3A_147 : i32 to index
        %parallel_loop3A_214 = arith.constant 64 : index
        %parallel_loop3A_215 = tpu.vector_load %arg14[%parallel_loop3A_213, %parallel_loop3A_214] {strides = array<i32>} : memref<80x128xf32, #tpu.memory_space<vmem>>, vector<1x16xf32>,
        %parallel_loop3A_216 = vector.shape_cast %parallel_loop3A_215 : vector<1x16xf32> to vector<16xf32>
        %parallel_loop3A_217 = vector.shape_cast %parallel_loop3A_212 : vector<16xf32> to vector<1x16xf32>
        tpu.vector_store %arg14[%parallel_loop3A_213, %parallel_loop3A_214], %parallel_loop3A_217 {strides = array<i32>} : memref<80x128xf32, #tpu.memory_space<vmem>>, vector<1x16xf32>,
        %parallel_loop3A_218 = arith.index_cast %parallel_loop3A_147 : i32 to index
        %parallel_loop3A_219 = arith.constant 80 : index
        %parallel_loop3A_220 = tpu.vector_load %arg14[%parallel_loop3A_218, %parallel_loop3A_219] {strides = array<i32>} : memref<80x128xf32, #tpu.memory_space<vmem>>, vector<1x16xf32>,
        %parallel_loop3A_221 = vector.shape_cast %parallel_loop3A_220 : vector<1x16xf32> to vector<16xf32>
        %parallel_loop3A_222 = arith.index_cast %parallel_loop3A_147 : i32 to index
        %parallel_loop3A_223 = arith.constant 80 : index
        %parallel_loop3A_224 = tpu.vector_load %arg16[%parallel_loop3A_222, %parallel_loop3A_223] {strides = array<i32>} : memref<80x128xf32, #tpu.memory_space<vmem>>, vector<1x16xf32>,
        %parallel_loop3A_225 = vector.shape_cast %parallel_loop3A_224 : vector<1x16xf32> to vector<16xf32>
        %parallel_loop3A_226 = arith.addf %parallel_loop3A_221, %parallel_loop3A_225 : vector<16xf32>
        %parallel_loop3A_227 = arith.index_cast %parallel_loop3A_147 : i32 to index
        %parallel_loop3A_228 = arith.constant 80 : index
        %parallel_loop3A_229 = tpu.vector_load %arg14[%parallel_loop3A_227, %parallel_loop3A_228] {strides = array<i32>} : memref<80x128xf32, #tpu.memory_space<vmem>>, vector<1x16xf32>,
        %parallel_loop3A_230 = vector.shape_cast %parallel_loop3A_229 : vector<1x16xf32> to vector<16xf32>
        %parallel_loop3A_231 = vector.shape_cast %parallel_loop3A_226 : vector<16xf32> to vector<1x16xf32>
        tpu.vector_store %arg14[%parallel_loop3A_227, %parallel_loop3A_228], %parallel_loop3A_231 {strides = array<i32>} : memref<80x128xf32, #tpu.memory_space<vmem>>, vector<1x16xf32>,
        %parallel_loop3A_232 = arith.index_cast %parallel_loop3A_147 : i32 to index
        %parallel_loop3A_233 = arith.constant 96 : index
        %parallel_loop3A_234 = tpu.vector_load %arg14[%parallel_loop3A_232, %parallel_loop3A_233] {strides = array<i32>} : memref<80x128xf32, #tpu.memory_space<vmem>>, vector<1x16xf32>,
        %parallel_loop3A_235 = vector.shape_cast %parallel_loop3A_234 : vector<1x16xf32> to vector<16xf32>
        %parallel_loop3A_236 = arith.index_cast %parallel_loop3A_147 : i32 to index
        %parallel_loop3A_237 = arith.constant 96 : index
        %parallel_loop3A_238 = tpu.vector_load %arg16[%parallel_loop3A_236, %parallel_loop3A_237] {strides = array<i32>} : memref<80x128xf32, #tpu.memory_space<vmem>>, vector<1x16xf32>,
        %parallel_loop3A_239 = vector.shape_cast %parallel_loop3A_238 : vector<1x16xf32> to vector<16xf32>
        %parallel_loop3A_240 = arith.addf %parallel_loop3A_235, %parallel_loop3A_239 : vector<16xf32>
        %parallel_loop3A_241 = arith.index_cast %parallel_loop3A_147 : i32 to index
        %parallel_loop3A_242 = arith.constant 96 : index
        %parallel_loop3A_243 = tpu.vector_load %arg14[%parallel_loop3A_241, %parallel_loop3A_242] {strides = array<i32>} : memref<80x128xf32, #tpu.memory_space<vmem>>, vector<1x16xf32>,
        %parallel_loop3A_244 = vector.shape_cast %parallel_loop3A_243 : vector<1x16xf32> to vector<16xf32>
        %parallel_loop3A_245 = vector.shape_cast %parallel_loop3A_240 : vector<16xf32> to vector<1x16xf32>
        tpu.vector_store %arg14[%parallel_loop3A_241, %parallel_loop3A_242], %parallel_loop3A_245 {strides = array<i32>} : memref<80x128xf32, #tpu.memory_space<vmem>>, vector<1x16xf32>,
        %parallel_loop3A_246 = arith.index_cast %parallel_loop3A_147 : i32 to index
        %parallel_loop3A_247 = arith.constant 112 : index
        %parallel_loop3A_248 = tpu.vector_load %arg14[%parallel_loop3A_246, %parallel_loop3A_247] {strides = array<i32>} : memref<80x128xf32, #tpu.memory_space<vmem>>, vector<1x16xf32>,
        %parallel_loop3A_249 = vector.shape_cast %parallel_loop3A_248 : vector<1x16xf32> to vector<16xf32>
        %parallel_loop3A_250 = arith.index_cast %parallel_loop3A_147 : i32 to index
        %parallel_loop3A_251 = arith.constant 112 : index
        %parallel_loop3A_252 = tpu.vector_load %arg16[%parallel_loop3A_250, %parallel_loop3A_251] {strides = array<i32>} : memref<80x128xf32, #tpu.memory_space<vmem>>, vector<1x16xf32>,
        %parallel_loop3A_253 = vector.shape_cast %parallel_loop3A_252 : vector<1x16xf32> to vector<16xf32>
        %parallel_loop3A_254 = arith.addf %parallel_loop3A_249, %parallel_loop3A_253 : vector<16xf32>
        %parallel_loop3A_255 = arith.index_cast %parallel_loop3A_147 : i32 to index
        %parallel_loop3A_256 = arith.constant 112 : index
        %parallel_loop3A_257 = tpu.vector_load %arg14[%parallel_loop3A_255, %parallel_loop3A_256] {strides = array<i32>} : memref<80x128xf32, #tpu.memory_space<vmem>>, vector<1x16xf32>,
        %parallel_loop3A_258 = vector.shape_cast %parallel_loop3A_257 : vector<1x16xf32> to vector<16xf32>
        %parallel_loop3A_259 = vector.shape_cast %parallel_loop3A_254 : vector<16xf32> to vector<1x16xf32>
        tpu.vector_store %arg14[%parallel_loop3A_255, %parallel_loop3A_256], %parallel_loop3A_259 {strides = array<i32>} : memref<80x128xf32, #tpu.memory_space<vmem>>, vector<1x16xf32>,
      } {sc.loop_unroll_factor = 4 : i64, sc.parallel_access}
      %dma_wait3A_124 = tpu.memref_slice %arg5[%add3A_68] : memref<320000xi32, #tpu.memory_space<hbm>> -> memref<80xi32, #tpu.memory_space<hbm>>
      %dma_wait3A_125 = tpu.memref_slice %arg5[%add3A_68] : memref<320000xi32, #tpu.memory_space<hbm>> -> memref<80xi32, #tpu.memory_space<hbm>>
      tpu.wait_dma2 semaphore(%arg19 : memref<!tpu.dma_semaphore, #tpu.memory_space<semaphore_mem>>) src(%dma_wait3A_125 : memref<80xi32, #tpu.memory_space<hbm>>) dst(%arg12 : memref<80xi32, #tpu.memory_space<vmem>>)
      %dma_start3A_126 = arith.constant 0 : i32
      %dma_start3A_127 = tpu.memref_slice %arg7[%add3A_68, %dma_start3A_126] : memref<320000x128xf32, #tpu.memory_space<hbm>> -> memref<80x128xf32, #tpu.memory_space<hbm>>
      %dma_start3A_128 = arith.constant 0 : i32
      %dma_start3A_129 = tpu.memref_slice %arg7[%add3A_68, %dma_start3A_128] : memref<320000x128xf32, #tpu.memory_space<hbm>> -> memref<80x128xf32, #tpu.memory_space<hbm>>
      tpu.enqueue_dma source(%arg14 : memref<80x128xf32, #tpu.memory_space<vmem>>) target(%dma_start3A_129 : memref<80x128xf32, #tpu.memory_space<hbm>>) target_semaphore(%arg23 : memref<!tpu.dma_semaphore, #tpu.memory_space<semaphore_mem>>)
      %dma_start3A_130 = arith.constant 0 : i32
      %dma_start3A_131 = arith.constant 0 : i32
      %dma_start3A_132 = tpu.memref_slice %arg17[%dma_start3A_130, %dma_start3A_131] : memref<10000x128xf32, #tpu.memory_space<vmem_shared>> -> memref<10000x128xf32, #tpu.memory_space<vmem_shared>>
      tpu.enqueue_indirect_dma source(%arg14 : memref<80x128xf32, #tpu.memory_space<vmem>>) target(%dma_start3A_132 : memref<10000x128xf32, #tpu.memory_space<vmem_shared>>) offsets(%arg12 : memref<80xi32, #tpu.memory_space<vmem>>) semaphore(%arg25 : memref<!tpu.dma_semaphore, #tpu.memory_space<semaphore_mem>>) {add = true}
      %dma_wait3A_133 = arith.constant 0 : i32
      %dma_wait3A_134 = tpu.memref_slice %arg7[%add3A_61, %dma_wait3A_133] : memref<320000x128xf32, #tpu.memory_space<hbm>> -> memref<80x128xf32, #tpu.memory_space<hbm>>
      %dma_wait3A_135 = arith.constant 0 : i32
      %dma_wait3A_136 = tpu.memref_slice %arg7[%add3A_61, %dma_wait3A_135] : memref<320000x128xf32, #tpu.memory_space<hbm>> -> memref<80x128xf32, #tpu.memory_space<hbm>>
      tpu.wait_dma2 semaphore(%arg22 : memref<!tpu.dma_semaphore, #tpu.memory_space<semaphore_mem>>) src(%arg13 : memref<80x128xf32, #tpu.memory_space<vmem>>) dst(%dma_wait3A_136 : memref<80x128xf32, #tpu.memory_space<hbm>>)
      %dma_wait3A_137 = arith.constant 0 : i32
      %dma_wait3A_138 = arith.constant 0 : i32
      %dma_wait3A_139 = tpu.memref_slice %arg17[%dma_wait3A_137, %dma_wait3A_138] : memref<10000x128xf32, #tpu.memory_space<vmem_shared>> -> memref<10000x128xf32, #tpu.memory_space<vmem_shared>>
      tpu.wait_indirect_dma semaphore(%arg24 : memref<!tpu.dma_semaphore, #tpu.memory_space<semaphore_mem>>) src(%arg13 : memref<80x128xf32, #tpu.memory_space<vmem>>) dst(%dma_wait3A_139 : memref<10000x128xf32, #tpu.memory_space<vmem_shared>>)
      %dma_wait3A_140 = arith.constant 0 : i32
      %dma_wait3A_141 = tpu.memref_slice %arg7[%add3A_68, %dma_wait3A_140] : memref<320000x128xf32, #tpu.memory_space<hbm>> -> memref<80x128xf32, #tpu.memory_space<hbm>>
      %dma_wait3A_142 = arith.constant 0 : i32
      %dma_wait3A_143 = tpu.memref_slice %arg7[%add3A_68, %dma_wait3A_142] : memref<320000x128xf32, #tpu.memory_space<hbm>> -> memref<80x128xf32, #tpu.memory_space<hbm>>
      tpu.wait_dma2 semaphore(%arg23 : memref<!tpu.dma_semaphore, #tpu.memory_space<semaphore_mem>>) src(%arg14 : memref<80x128xf32, #tpu.memory_space<vmem>>) dst(%dma_wait3A_143 : memref<80x128xf32, #tpu.memory_space<hbm>>)
      %dma_wait3A_144 = arith.constant 0 : i32
      %dma_wait3A_145 = arith.constant 0 : i32
      %dma_wait3A_146 = tpu.memref_slice %arg17[%dma_wait3A_144, %dma_wait3A_145] : memref<10000x128xf32, #tpu.memory_space<vmem_shared>> -> memref<10000x128xf32, #tpu.memory_space<vmem_shared>>
      tpu.wait_indirect_dma semaphore(%arg25 : memref<!tpu.dma_semaphore, #tpu.memory_space<semaphore_mem>>) src(%arg14 : memref<80x128xf32, #tpu.memory_space<vmem>>) dst(%dma_wait3A_146 : memref<10000x128xf32, #tpu.memory_space<vmem_shared>>)
    }
    %scan3A_9 = arith.constant 62 : i32
    %add3A_10 = arith.constant 9920 : i32
    %add3A_11 = arith.addi %mul3A_2, %add3A_10 : i32
    %dma_start3A = tpu.memref_slice %arg4[%add3A_11] : memref<320000xi32, #tpu.memory_space<hbm>> -> memref<80xi32, #tpu.memory_space<hbm>>
    %dma_start3A_12 = tpu.memref_slice %arg4[%add3A_11] : memref<320000xi32, #tpu.memory_space<hbm>> -> memref<80xi32, #tpu.memory_space<hbm>>
    tpu.enqueue_dma source(%dma_start3A_12 : memref<80xi32, #tpu.memory_space<hbm>>) target(%arg9 : memref<80xi32, #tpu.memory_space<vmem>>) target_semaphore(%arg18 : memref<!tpu.dma_semaphore, #tpu.memory_space<semaphore_mem>>)
    %dma_start3A_13 = tpu.memref_slice %arg5[%add3A_11] : memref<320000xi32, #tpu.memory_space<hbm>> -> memref<80xi32, #tpu.memory_space<hbm>>
    %dma_start3A_14 = tpu.memref_slice %arg5[%add3A_11] : memref<320000xi32, #tpu.memory_space<hbm>> -> memref<80xi32, #tpu.memory_space<hbm>>
    tpu.enqueue_dma source(%dma_start3A_14 : memref<80xi32, #tpu.memory_space<hbm>>) target(%arg11 : memref<80xi32, #tpu.memory_space<vmem>>) target_semaphore(%arg18 : memref<!tpu.dma_semaphore, #tpu.memory_space<semaphore_mem>>)
    %dma_start3A_15 = arith.constant 0 : i32
    %dma_start3A_16 = tpu.memref_slice %arg3[%add3A_11, %dma_start3A_15] : memref<320000x128xf32, #tpu.memory_space<hbm>> -> memref<80x128xf32, #tpu.memory_space<hbm>>
    %dma_start3A_17 = arith.constant 0 : i32
    %dma_start3A_18 = tpu.memref_slice %arg3[%add3A_11, %dma_start3A_17] : memref<320000x128xf32, #tpu.memory_space<hbm>> -> memref<80x128xf32, #tpu.memory_space<hbm>>
    tpu.enqueue_dma source(%dma_start3A_18 : memref<80x128xf32, #tpu.memory_space<hbm>>) target(%arg13 : memref<80x128xf32, #tpu.memory_space<vmem>>) target_semaphore(%arg18 : memref<!tpu.dma_semaphore, #tpu.memory_space<semaphore_mem>>)
    %dma_wait3A = tpu.memref_slice %arg4[%add3A_11] : memref<320000xi32, #tpu.memory_space<hbm>> -> memref<80xi32, #tpu.memory_space<hbm>>
    %dma_wait3A_19 = tpu.memref_slice %arg4[%add3A_11] : memref<320000xi32, #tpu.memory_space<hbm>> -> memref<80xi32, #tpu.memory_space<hbm>>
    tpu.wait_dma2 semaphore(%arg18 : memref<!tpu.dma_semaphore, #tpu.memory_space<semaphore_mem>>) src(%dma_wait3A_19 : memref<80xi32, #tpu.memory_space<hbm>>) dst(%arg9 : memref<80xi32, #tpu.memory_space<vmem>>)
    %dma_start3A_20 = arith.constant 0 : i32
    %dma_start3A_21 = arith.constant 0 : i32
    %dma_start3A_22 = tpu.memref_slice %arg2[%dma_start3A_20, %dma_start3A_21] : memref<10000x128xf32, #tpu.memory_space<hbm>> -> memref<10000x128xf32, #tpu.memory_space<hbm>>
    tpu.enqueue_indirect_dma source(%dma_start3A_22 : memref<10000x128xf32, #tpu.memory_space<hbm>>) target(%arg15 : memref<80x128xf32, #tpu.memory_space<vmem>>) offsets(%arg9 : memref<80xi32, #tpu.memory_space<vmem>>) semaphore(%arg20 : memref<!tpu.dma_semaphore, #tpu.memory_space<semaphore_mem>>)
    %dma_wait3A_23 = arith.constant 0 : i32
    %dma_wait3A_24 = tpu.memref_slice %arg3[%add3A_11, %dma_wait3A_23] : memref<320000x128xf32, #tpu.memory_space<hbm>> -> memref<80x128xf32, #tpu.memory_space<hbm>>
    %dma_wait3A_25 = arith.constant 0 : i32
    %dma_wait3A_26 = tpu.memref_slice %arg3[%add3A_11, %dma_wait3A_25] : memref<320000x128xf32, #tpu.memory_space<hbm>> -> memref<80x128xf32, #tpu.memory_space<hbm>>
    tpu.wait_dma2 semaphore(%arg18 : memref<!tpu.dma_semaphore, #tpu.memory_space<semaphore_mem>>) src(%dma_wait3A_26 : memref<80x128xf32, #tpu.memory_space<hbm>>) dst(%arg13 : memref<80x128xf32, #tpu.memory_space<vmem>>)
    %dma_wait3A_27 = arith.constant 0 : i32
    %dma_wait3A_28 = arith.constant 0 : i32
    %dma_wait3A_29 = tpu.memref_slice %arg2[%dma_wait3A_27, %dma_wait3A_28] : memref<10000x128xf32, #tpu.memory_space<hbm>> -> memref<10000x128xf32, #tpu.memory_space<hbm>>
    tpu.wait_indirect_dma semaphore(%arg20 : memref<!tpu.dma_semaphore, #tpu.memory_space<semaphore_mem>>) src(%dma_wait3A_29 : memref<10000x128xf32, #tpu.memory_space<hbm>>) dst(%arg15 : memref<80x128xf32, #tpu.memory_space<vmem>>)
    %parallel_loop3A = arith.constant 0 : i32
    %parallel_loop3A_30 = arith.constant 80 : i32
    %parallel_loop3A_31 = arith.constant 1 : i32
    scf.for %parallel_loop3A_54 = %parallel_loop3A to %parallel_loop3A_30 step %parallel_loop3A_31  : i32 {
      %parallel_loop3A_55 = arith.index_cast %parallel_loop3A_54 : i32 to index
      %parallel_loop3A_56 = arith.constant 0 : index
      %parallel_loop3A_57 = tpu.vector_load %arg13[%parallel_loop3A_55, %parallel_loop3A_56] {strides = array<i32>} : memref<80x128xf32, #tpu.memory_space<vmem>>, vector<1x16xf32>,
      %parallel_loop3A_58 = vector.shape_cast %parallel_loop3A_57 : vector<1x16xf32> to vector<16xf32>
      %parallel_loop3A_59 = arith.index_cast %parallel_loop3A_54 : i32 to index
      %parallel_loop3A_60 = arith.constant 0 : index
      %parallel_loop3A_61 = tpu.vector_load %arg15[%parallel_loop3A_59, %parallel_loop3A_60] {strides = array<i32>} : memref<80x128xf32, #tpu.memory_space<vmem>>, vector<1x16xf32>,
      %parallel_loop3A_62 = vector.shape_cast %parallel_loop3A_61 : vector<1x16xf32> to vector<16xf32>
      %parallel_loop3A_63 = arith.addf %parallel_loop3A_58, %parallel_loop3A_62 : vector<16xf32>
      %parallel_loop3A_64 = arith.index_cast %parallel_loop3A_54 : i32 to index
      %parallel_loop3A_65 = arith.constant 0 : index
      %parallel_loop3A_66 = tpu.vector_load %arg13[%parallel_loop3A_64, %parallel_loop3A_65] {strides = array<i32>} : memref<80x128xf32, #tpu.memory_space<vmem>>, vector<1x16xf32>,
      %parallel_loop3A_67 = vector.shape_cast %parallel_loop3A_66 : vector<1x16xf32> to vector<16xf32>
      %parallel_loop3A_68 = vector.shape_cast %parallel_loop3A_63 : vector<16xf32> to vector<1x16xf32>
      tpu.vector_store %arg13[%parallel_loop3A_64, %parallel_loop3A_65], %parallel_loop3A_68 {strides = array<i32>} : memref<80x128xf32, #tpu.memory_space<vmem>>, vector<1x16xf32>,
      %parallel_loop3A_69 = arith.index_cast %parallel_loop3A_54 : i32 to index
      %parallel_loop3A_70 = arith.constant 16 : index
      %parallel_loop3A_71 = tpu.vector_load %arg13[%parallel_loop3A_69, %parallel_loop3A_70] {strides = array<i32>} : memref<80x128xf32, #tpu.memory_space<vmem>>, vector<1x16xf32>,
      %parallel_loop3A_72 = vector.shape_cast %parallel_loop3A_71 : vector<1x16xf32> to vector<16xf32>
      %parallel_loop3A_73 = arith.index_cast %parallel_loop3A_54 : i32 to index
      %parallel_loop3A_74 = arith.constant 16 : index
      %parallel_loop3A_75 = tpu.vector_load %arg15[%parallel_loop3A_73, %parallel_loop3A_74] {strides = array<i32>} : memref<80x128xf32, #tpu.memory_space<vmem>>, vector<1x16xf32>,
      %parallel_loop3A_76 = vector.shape_cast %parallel_loop3A_75 : vector<1x16xf32> to vector<16xf32>
      %parallel_loop3A_77 = arith.addf %parallel_loop3A_72, %parallel_loop3A_76 : vector<16xf32>
      %parallel_loop3A_78 = arith.index_cast %parallel_loop3A_54 : i32 to index
      %parallel_loop3A_79 = arith.constant 16 : index
      %parallel_loop3A_80 = tpu.vector_load %arg13[%parallel_loop3A_78, %parallel_loop3A_79] {strides = array<i32>} : memref<80x128xf32, #tpu.memory_space<vmem>>, vector<1x16xf32>,
      %parallel_loop3A_81 = vector.shape_cast %parallel_loop3A_80 : vector<1x16xf32> to vector<16xf32>
      %parallel_loop3A_82 = vector.shape_cast %parallel_loop3A_77 : vector<16xf32> to vector<1x16xf32>
      tpu.vector_store %arg13[%parallel_loop3A_78, %parallel_loop3A_79], %parallel_loop3A_82 {strides = array<i32>} : memref<80x128xf32, #tpu.memory_space<vmem>>, vector<1x16xf32>,
      %parallel_loop3A_83 = arith.index_cast %parallel_loop3A_54 : i32 to index
      %parallel_loop3A_84 = arith.constant 32 : index
      %parallel_loop3A_85 = tpu.vector_load %arg13[%parallel_loop3A_83, %parallel_loop3A_84] {strides = array<i32>} : memref<80x128xf32, #tpu.memory_space<vmem>>, vector<1x16xf32>,
      %parallel_loop3A_86 = vector.shape_cast %parallel_loop3A_85 : vector<1x16xf32> to vector<16xf32>
      %parallel_loop3A_87 = arith.index_cast %parallel_loop3A_54 : i32 to index
      %parallel_loop3A_88 = arith.constant 32 : index
      %parallel_loop3A_89 = tpu.vector_load %arg15[%parallel_loop3A_87, %parallel_loop3A_88] {strides = array<i32>} : memref<80x128xf32, #tpu.memory_space<vmem>>, vector<1x16xf32>,
      %parallel_loop3A_90 = vector.shape_cast %parallel_loop3A_89 : vector<1x16xf32> to vector<16xf32>
      %parallel_loop3A_91 = arith.addf %parallel_loop3A_86, %parallel_loop3A_90 : vector<16xf32>
      %parallel_loop3A_92 = arith.index_cast %parallel_loop3A_54 : i32 to index
      %parallel_loop3A_93 = arith.constant 32 : index
      %parallel_loop3A_94 = tpu.vector_load %arg13[%parallel_loop3A_92, %parallel_loop3A_93] {strides = array<i32>} : memref<80x128xf32, #tpu.memory_space<vmem>>, vector<1x16xf32>,
      %parallel_loop3A_95 = vector.shape_cast %parallel_loop3A_94 : vector<1x16xf32> to vector<16xf32>
      %parallel_loop3A_96 = vector.shape_cast %parallel_loop3A_91 : vector<16xf32> to vector<1x16xf32>
      tpu.vector_store %arg13[%parallel_loop3A_92, %parallel_loop3A_93], %parallel_loop3A_96 {strides = array<i32>} : memref<80x128xf32, #tpu.memory_space<vmem>>, vector<1x16xf32>,
      %parallel_loop3A_97 = arith.index_cast %parallel_loop3A_54 : i32 to index
      %parallel_loop3A_98 = arith.constant 48 : index
      %parallel_loop3A_99 = tpu.vector_load %arg13[%parallel_loop3A_97, %parallel_loop3A_98] {strides = array<i32>} : memref<80x128xf32, #tpu.memory_space<vmem>>, vector<1x16xf32>,
      %parallel_loop3A_100 = vector.shape_cast %parallel_loop3A_99 : vector<1x16xf32> to vector<16xf32>
      %parallel_loop3A_101 = arith.index_cast %parallel_loop3A_54 : i32 to index
      %parallel_loop3A_102 = arith.constant 48 : index
      %parallel_loop3A_103 = tpu.vector_load %arg15[%parallel_loop3A_101, %parallel_loop3A_102] {strides = array<i32>} : memref<80x128xf32, #tpu.memory_space<vmem>>, vector<1x16xf32>,
      %parallel_loop3A_104 = vector.shape_cast %parallel_loop3A_103 : vector<1x16xf32> to vector<16xf32>
      %parallel_loop3A_105 = arith.addf %parallel_loop3A_100, %parallel_loop3A_104 : vector<16xf32>
      %parallel_loop3A_106 = arith.index_cast %parallel_loop3A_54 : i32 to index
      %parallel_loop3A_107 = arith.constant 48 : index
      %parallel_loop3A_108 = tpu.vector_load %arg13[%parallel_loop3A_106, %parallel_loop3A_107] {strides = array<i32>} : memref<80x128xf32, #tpu.memory_space<vmem>>, vector<1x16xf32>,
      %parallel_loop3A_109 = vector.shape_cast %parallel_loop3A_108 : vector<1x16xf32> to vector<16xf32>
      %parallel_loop3A_110 = vector.shape_cast %parallel_loop3A_105 : vector<16xf32> to vector<1x16xf32>
      tpu.vector_store %arg13[%parallel_loop3A_106, %parallel_loop3A_107], %parallel_loop3A_110 {strides = array<i32>} : memref<80x128xf32, #tpu.memory_space<vmem>>, vector<1x16xf32>,
      %parallel_loop3A_111 = arith.index_cast %parallel_loop3A_54 : i32 to index
      %parallel_loop3A_112 = arith.constant 64 : index
      %parallel_loop3A_113 = tpu.vector_load %arg13[%parallel_loop3A_111, %parallel_loop3A_112] {strides = array<i32>} : memref<80x128xf32, #tpu.memory_space<vmem>>, vector<1x16xf32>,
      %parallel_loop3A_114 = vector.shape_cast %parallel_loop3A_113 : vector<1x16xf32> to vector<16xf32>
      %parallel_loop3A_115 = arith.index_cast %parallel_loop3A_54 : i32 to index
      %parallel_loop3A_116 = arith.constant 64 : index
      %parallel_loop3A_117 = tpu.vector_load %arg15[%parallel_loop3A_115, %parallel_loop3A_116] {strides = array<i32>} : memref<80x128xf32, #tpu.memory_space<vmem>>, vector<1x16xf32>,
      %parallel_loop3A_118 = vector.shape_cast %parallel_loop3A_117 : vector<1x16xf32> to vector<16xf32>
      %parallel_loop3A_119 = arith.addf %parallel_loop3A_114, %parallel_loop3A_118 : vector<16xf32>
      %parallel_loop3A_120 = arith.index_cast %parallel_loop3A_54 : i32 to index
      %parallel_loop3A_121 = arith.constant 64 : index
      %parallel_loop3A_122 = tpu.vector_load %arg13[%parallel_loop3A_120, %parallel_loop3A_121] {strides = array<i32>} : memref<80x128xf32, #tpu.memory_space<vmem>>, vector<1x16xf32>,
      %parallel_loop3A_123 = vector.shape_cast %parallel_loop3A_122 : vector<1x16xf32> to vector<16xf32>
      %parallel_loop3A_124 = vector.shape_cast %parallel_loop3A_119 : vector<16xf32> to vector<1x16xf32>
      tpu.vector_store %arg13[%parallel_loop3A_120, %parallel_loop3A_121], %parallel_loop3A_124 {strides = array<i32>} : memref<80x128xf32, #tpu.memory_space<vmem>>, vector<1x16xf32>,
      %parallel_loop3A_125 = arith.index_cast %parallel_loop3A_54 : i32 to index
      %parallel_loop3A_126 = arith.constant 80 : index
      %parallel_loop3A_127 = tpu.vector_load %arg13[%parallel_loop3A_125, %parallel_loop3A_126] {strides = array<i32>} : memref<80x128xf32, #tpu.memory_space<vmem>>, vector<1x16xf32>,
      %parallel_loop3A_128 = vector.shape_cast %parallel_loop3A_127 : vector<1x16xf32> to vector<16xf32>
      %parallel_loop3A_129 = arith.index_cast %parallel_loop3A_54 : i32 to index
      %parallel_loop3A_130 = arith.constant 80 : index
      %parallel_loop3A_131 = tpu.vector_load %arg15[%parallel_loop3A_129, %parallel_loop3A_130] {strides = array<i32>} : memref<80x128xf32, #tpu.memory_space<vmem>>, vector<1x16xf32>,
      %parallel_loop3A_132 = vector.shape_cast %parallel_loop3A_131 : vector<1x16xf32> to vector<16xf32>
      %parallel_loop3A_133 = arith.addf %parallel_loop3A_128, %parallel_loop3A_132 : vector<16xf32>
      %parallel_loop3A_134 = arith.index_cast %parallel_loop3A_54 : i32 to index
      %parallel_loop3A_135 = arith.constant 80 : index
      %parallel_loop3A_136 = tpu.vector_load %arg13[%parallel_loop3A_134, %parallel_loop3A_135] {strides = array<i32>} : memref<80x128xf32, #tpu.memory_space<vmem>>, vector<1x16xf32>,
      %parallel_loop3A_137 = vector.shape_cast %parallel_loop3A_136 : vector<1x16xf32> to vector<16xf32>
      %parallel_loop3A_138 = vector.shape_cast %parallel_loop3A_133 : vector<16xf32> to vector<1x16xf32>
      tpu.vector_store %arg13[%parallel_loop3A_134, %parallel_loop3A_135], %parallel_loop3A_138 {strides = array<i32>} : memref<80x128xf32, #tpu.memory_space<vmem>>, vector<1x16xf32>,
      %parallel_loop3A_139 = arith.index_cast %parallel_loop3A_54 : i32 to index
      %parallel_loop3A_140 = arith.constant 96 : index
      %parallel_loop3A_141 = tpu.vector_load %arg13[%parallel_loop3A_139, %parallel_loop3A_140] {strides = array<i32>} : memref<80x128xf32, #tpu.memory_space<vmem>>, vector<1x16xf32>,
      %parallel_loop3A_142 = vector.shape_cast %parallel_loop3A_141 : vector<1x16xf32> to vector<16xf32>
      %parallel_loop3A_143 = arith.index_cast %parallel_loop3A_54 : i32 to index
      %parallel_loop3A_144 = arith.constant 96 : index
      %parallel_loop3A_145 = tpu.vector_load %arg15[%parallel_loop3A_143, %parallel_loop3A_144] {strides = array<i32>} : memref<80x128xf32, #tpu.memory_space<vmem>>, vector<1x16xf32>,
      %parallel_loop3A_146 = vector.shape_cast %parallel_loop3A_145 : vector<1x16xf32> to vector<16xf32>
      %parallel_loop3A_147 = arith.addf %parallel_loop3A_142, %parallel_loop3A_146 : vector<16xf32>
      %parallel_loop3A_148 = arith.index_cast %parallel_loop3A_54 : i32 to index
      %parallel_loop3A_149 = arith.constant 96 : index
      %parallel_loop3A_150 = tpu.vector_load %arg13[%parallel_loop3A_148, %parallel_loop3A_149] {strides = array<i32>} : memref<80x128xf32, #tpu.memory_space<vmem>>, vector<1x16xf32>,
      %parallel_loop3A_151 = vector.shape_cast %parallel_loop3A_150 : vector<1x16xf32> to vector<16xf32>
      %parallel_loop3A_152 = vector.shape_cast %parallel_loop3A_147 : vector<16xf32> to vector<1x16xf32>
      tpu.vector_store %arg13[%parallel_loop3A_148, %parallel_loop3A_149], %parallel_loop3A_152 {strides = array<i32>} : memref<80x128xf32, #tpu.memory_space<vmem>>, vector<1x16xf32>,
      %parallel_loop3A_153 = arith.index_cast %parallel_loop3A_54 : i32 to index
      %parallel_loop3A_154 = arith.constant 112 : index
      %parallel_loop3A_155 = tpu.vector_load %arg13[%parallel_loop3A_153, %parallel_loop3A_154] {strides = array<i32>} : memref<80x128xf32, #tpu.memory_space<vmem>>, vector<1x16xf32>,
      %parallel_loop3A_156 = vector.shape_cast %parallel_loop3A_155 : vector<1x16xf32> to vector<16xf32>
      %parallel_loop3A_157 = arith.index_cast %parallel_loop3A_54 : i32 to index
      %parallel_loop3A_158 = arith.constant 112 : index
      %parallel_loop3A_159 = tpu.vector_load %arg15[%parallel_loop3A_157, %parallel_loop3A_158] {strides = array<i32>} : memref<80x128xf32, #tpu.memory_space<vmem>>, vector<1x16xf32>,
      %parallel_loop3A_160 = vector.shape_cast %parallel_loop3A_159 : vector<1x16xf32> to vector<16xf32>
      %parallel_loop3A_161 = arith.addf %parallel_loop3A_156, %parallel_loop3A_160 : vector<16xf32>
      %parallel_loop3A_162 = arith.index_cast %parallel_loop3A_54 : i32 to index
      %parallel_loop3A_163 = arith.constant 112 : index
      %parallel_loop3A_164 = tpu.vector_load %arg13[%parallel_loop3A_162, %parallel_loop3A_163] {strides = array<i32>} : memref<80x128xf32, #tpu.memory_space<vmem>>, vector<1x16xf32>,
      %parallel_loop3A_165 = vector.shape_cast %parallel_loop3A_164 : vector<1x16xf32> to vector<16xf32>
      %parallel_loop3A_166 = vector.shape_cast %parallel_loop3A_161 : vector<16xf32> to vector<1x16xf32>
      tpu.vector_store %arg13[%parallel_loop3A_162, %parallel_loop3A_163], %parallel_loop3A_166 {strides = array<i32>} : memref<80x128xf32, #tpu.memory_space<vmem>>, vector<1x16xf32>,
    } {sc.loop_unroll_factor = 4 : i64, sc.parallel_access}
    %dma_wait3A_32 = tpu.memref_slice %arg5[%add3A_11] : memref<320000xi32, #tpu.memory_space<hbm>> -> memref<80xi32, #tpu.memory_space<hbm>>
    %dma_wait3A_33 = tpu.memref_slice %arg5[%add3A_11] : memref<320000xi32, #tpu.memory_space<hbm>> -> memref<80xi32, #tpu.memory_space<hbm>>
    tpu.wait_dma2 semaphore(%arg18 : memref<!tpu.dma_semaphore, #tpu.memory_space<semaphore_mem>>) src(%dma_wait3A_33 : memref<80xi32, #tpu.memory_space<hbm>>) dst(%arg11 : memref<80xi32, #tpu.memory_space<vmem>>)
    %dma_start3A_34 = arith.constant 0 : i32
    %dma_start3A_35 = tpu.memref_slice %arg7[%add3A_11, %dma_start3A_34] : memref<320000x128xf32, #tpu.memory_space<hbm>> -> memref<80x128xf32, #tpu.memory_space<hbm>>
    %dma_start3A_36 = arith.constant 0 : i32
    %dma_start3A_37 = tpu.memref_slice %arg7[%add3A_11, %dma_start3A_36] : memref<320000x128xf32, #tpu.memory_space<hbm>> -> memref<80x128xf32, #tpu.memory_space<hbm>>
    tpu.enqueue_dma source(%arg13 : memref<80x128xf32, #tpu.memory_space<vmem>>) target(%dma_start3A_37 : memref<80x128xf32, #tpu.memory_space<hbm>>) target_semaphore(%arg22 : memref<!tpu.dma_semaphore, #tpu.memory_space<semaphore_mem>>)
    %dma_start3A_38 = arith.constant 0 : i32
    %dma_start3A_39 = arith.constant 0 : i32
    %dma_start3A_40 = tpu.memref_slice %arg17[%dma_start3A_38, %dma_start3A_39] : memref<10000x128xf32, #tpu.memory_space<vmem_shared>> -> memref<10000x128xf32, #tpu.memory_space<vmem_shared>>
    tpu.enqueue_indirect_dma source(%arg13 : memref<80x128xf32, #tpu.memory_space<vmem>>) target(%dma_start3A_40 : memref<10000x128xf32, #tpu.memory_space<vmem_shared>>) offsets(%arg11 : memref<80xi32, #tpu.memory_space<vmem>>) semaphore(%arg24 : memref<!tpu.dma_semaphore, #tpu.memory_space<semaphore_mem>>) {add = true}
    %dma_wait3A_41 = arith.constant 0 : i32
    %dma_wait3A_42 = tpu.memref_slice %arg7[%add3A_11, %dma_wait3A_41] : memref<320000x128xf32, #tpu.memory_space<hbm>> -> memref<80x128xf32, #tpu.memory_space<hbm>>
    %dma_wait3A_43 = arith.constant 0 : i32
    %dma_wait3A_44 = tpu.memref_slice %arg7[%add3A_11, %dma_wait3A_43] : memref<320000x128xf32, #tpu.memory_space<hbm>> -> memref<80x128xf32, #tpu.memory_space<hbm>>
    tpu.wait_dma2 semaphore(%arg22 : memref<!tpu.dma_semaphore, #tpu.memory_space<semaphore_mem>>) src(%arg13 : memref<80x128xf32, #tpu.memory_space<vmem>>) dst(%dma_wait3A_44 : memref<80x128xf32, #tpu.memory_space<hbm>>)
    %dma_wait3A_45 = arith.constant 0 : i32
    %dma_wait3A_46 = arith.constant 0 : i32
    %dma_wait3A_47 = tpu.memref_slice %arg17[%dma_wait3A_45, %dma_wait3A_46] : memref<10000x128xf32, #tpu.memory_space<vmem_shared>> -> memref<10000x128xf32, #tpu.memory_space<vmem_shared>>
    tpu.wait_indirect_dma semaphore(%arg24 : memref<!tpu.dma_semaphore, #tpu.memory_space<semaphore_mem>>) src(%arg13 : memref<80x128xf32, #tpu.memory_space<vmem>>) dst(%dma_wait3A_47 : memref<10000x128xf32, #tpu.memory_space<vmem_shared>>)
    %barrier3A_48 = arith.constant 0 : index
    tpu.barrier barrier_id(%barrier3A_48)
    %eq3A_49 = arith.constant 0 : i32
    %eq3A_50 = arith.cmpi eq, %arg1, %eq3A_49 : i32
    %convert_element_type3A_51 = arith.extui %eq3A_50 : i1 to i32
    %cond3A_52 = arith.constant 0 : i32
    %cond3A_53 = arith.cmpi ne, %convert_element_type3A_51, %cond3A_52 : i32
    scf.if %cond3A_53 {
      "tpu.region"() ({
        %run_scoped3A = tpu.sem_alloc : memref<!tpu.dma_semaphore, #tpu.memory_space<semaphore_mem>>
        %dma_start3A_54 = arith.constant 0 : i32
        %dma_start3A_55 = arith.constant 0 : i32
        %dma_start3A_56 = tpu.memref_slice %arg8[%arg0, %dma_start3A_54, %dma_start3A_55] : memref<2x10000x128xf32, #tpu.memory_space<hbm>> -> memref<1x10000x128xf32, #tpu.memory_space<hbm>>
        %dma_start3A_57 = tpu.memref_squeeze %dma_start3A_56 : memref<1x10000x128xf32, #tpu.memory_space<hbm>> -> memref<10000x128xf32, #tpu.memory_space<hbm>>
        tpu.enqueue_dma source(%arg17 : memref<10000x128xf32, #tpu.memory_space<vmem_shared>>) target(%dma_start3A_57 : memref<10000x128xf32, #tpu.memory_space<hbm>>) target_semaphore(%run_scoped3A : memref<!tpu.dma_semaphore, #tpu.memory_space<semaphore_mem>>)
        %dma_wait3A_58 = arith.constant 0 : i32
        %dma_wait3A_59 = arith.constant 0 : i32
        %dma_wait3A_60 = tpu.memref_slice %arg8[%arg0, %dma_wait3A_58, %dma_wait3A_59] : memref<2x10000x128xf32, #tpu.memory_space<hbm>> -> memref<1x10000x128xf32, #tpu.memory_space<hbm>>
        %dma_wait3A_61 = tpu.memref_squeeze %dma_wait3A_60 : memref<1x10000x128xf32, #tpu.memory_space<hbm>> -> memref<10000x128xf32, #tpu.memory_space<hbm>>
        tpu.wait_dma2 semaphore(%run_scoped3A : memref<!tpu.dma_semaphore, #tpu.memory_space<semaphore_mem>>) src(%arg17 : memref<10000x128xf32, #tpu.memory_space<vmem_shared>>) dst(%dma_wait3A_61 : memref<10000x128xf32, #tpu.memory_space<hbm>>)
        tpu.yield
      }) : () -> ()
    } else {
    }
    return
  }
}

module attributes {stable_mosaic.version = 14 : i64} {
  func.func @_q_body(%arg0: i32, %arg1: memref<2000x128xf32, #tpu.memory_space<vmem>>, %arg2: memref<128x128xf32, #tpu.memory_space<vmem>>, %arg3: memref<2000x128xf32, #tpu.memory_space<vmem>>) attributes {dimension_semantics = [#tpu.dimension_semantics<arbitrary>], iteration_bounds = array<i64: 160>, scalar_prefetch = 0 : i64, scratch_operands = 0 : i64, tpu.core_type = #tpu.core_type<tc>, window_params = [{transform_indices = @transform_0, window_bounds = array<i64: 2000, 128>}, {pipeline_mode = #tpu.pipeline_mode<synchronous>, transform_indices = @transform_1, window_bounds = array<i64: 128, 128>}, {transform_indices = @transform_2, window_bounds = array<i64: 2000, 128>}]} {
    %get3A = arith.constant 0 : index
    %get3A_0 = arith.constant 0 : index
    %get3A_1 = vector.load %arg1[%get3A, %get3A_0] : memref<2000x128xf32, #tpu.memory_space<vmem>>, vector<2000x128xf32>
    %get3A_2 = arith.constant 0 : index
    %get3A_3 = arith.constant 0 : index
    %get3A_4 = vector.load %arg2[%get3A_2, %get3A_3] : memref<128x128xf32, #tpu.memory_space<vmem>>, vector<128x128xf32>
    %dot_general3A = arith.constant dense<0.000000e+00> : vector<2000x128xf32>
    %dot_general3A_5 = tpu.matmul %get3A_1, %get3A_4, %dot_general3A {dimension_numbers = #tpu.dot_dimension_numbers<[1], [0], [0], [1], [0, 0, 1, 1], [], []>, transpose_lhs_hint = false} : vector<2000x128xf32>, vector<128x128xf32>, vector<2000x128xf32> -> vector<2000x128xf32>
    %swap3A = arith.constant 0 : index
    %swap3A_6 = arith.constant 0 : index
    %swap3A_7 = vector.load %arg3[%swap3A, %swap3A_6] : memref<2000x128xf32, #tpu.memory_space<vmem>>, vector<2000x128xf32>
    tpu.vector_store %arg3[%swap3A, %swap3A_6], %dot_general3A_5 {strides = array<i32>} : memref<2000x128xf32, #tpu.memory_space<vmem>>, vector<2000x128xf32>,
    return
  }
  func.func @transform_0(%arg0: i32) -> (i32, i32) {
    %c0_i32 = arith.constant 0 : i32
    %c0_i32_0 = arith.constant 0 : i32
    return %arg0, %c0_i32 : i32, i32
  }
  func.func @transform_1(%arg0: i32) -> (i32, i32) {
    %c0_i32 = arith.constant 0 : i32
    %c0_i32_0 = arith.constant 0 : i32
    %c0_i32_1 = arith.constant 0 : i32
    return %c0_i32, %c0_i32_0 : i32, i32
  }
  func.func @transform_2(%arg0: i32) -> (i32, i32) {
    %c0_i32 = arith.constant 0 : i32
    %c0_i32_0 = arith.constant 0 : i32
    return %arg0, %c0_i32 : i32, i32
  }
}

module attributes {stable_mosaic.version = 14 : i64} {
  func.func @_zt_body(%arg0: memref<10000x128xf32, #tpu.memory_space<vmem>>, %arg1: memref<128x128xf32, #tpu.memory_space<vmem>>, %arg2: memref<1x128xf32, #tpu.memory_space<vmem>>, %arg3: memref<10000x128xf32, #tpu.memory_space<vmem>>) attributes {dimension_semantics = [], scalar_prefetch = 0 : i64, scratch_operands = 0 : i64, tpu.core_type = #tpu.core_type<tc>} {
    %get3A = arith.constant 0 : index
    %get3A_0 = arith.constant 0 : index
    %get3A_1 = vector.load %arg0[%get3A, %get3A_0] : memref<10000x128xf32, #tpu.memory_space<vmem>>, vector<10000x128xf32>
    %get3A_2 = arith.constant 0 : index
    %get3A_3 = arith.constant 0 : index
    %get3A_4 = vector.load %arg1[%get3A_2, %get3A_3] : memref<128x128xf32, #tpu.memory_space<vmem>>, vector<128x128xf32>
    %dot_general3A = arith.constant dense<0.000000e+00> : vector<10000x128xf32>
    %dot_general3A_5 = tpu.matmul %get3A_1, %get3A_4, %dot_general3A {dimension_numbers = #tpu.dot_dimension_numbers<[1], [0], [0], [1], [0, 0, 1, 1], [], []>, transpose_lhs_hint = false} : vector<10000x128xf32>, vector<128x128xf32>, vector<10000x128xf32> -> vector<10000x128xf32>
    %get3A_6 = arith.constant 0 : index
    %get3A_7 = arith.constant 0 : index
    %get3A_8 = vector.load %arg2[%get3A_6, %get3A_7] : memref<1x128xf32, #tpu.memory_space<vmem>>, vector<1x128xf32>
    %add3A = vector.broadcast %get3A_8 : vector<1x128xf32> to vector<10000x128xf32>
    %add3A_9 = arith.addf %dot_general3A_5, %add3A : vector<10000x128xf32>
    %swap3A = arith.constant 0 : index
    %swap3A_10 = arith.constant 0 : index
    %swap3A_11 = vector.load %arg3[%swap3A, %swap3A_10] : memref<10000x128xf32, #tpu.memory_space<vmem>>, vector<10000x128xf32>
    tpu.vector_store %arg3[%swap3A, %swap3A_10], %add3A_9 {strides = array<i32>} : memref<10000x128xf32, #tpu.memory_space<vmem>>, vector<10000x128xf32>,
    return
  }
}

module attributes {stable_mosaic.version = 14 : i64} {
  func.func @_node_body(%arg0: i32, %arg1: memref<2000x128xf32, #tpu.memory_space<vmem>>, %arg2: memref<2x2000x128xf32, #tpu.memory_space<vmem>>, %arg3: memref<128x128xf32, #tpu.memory_space<vmem>>, %arg4: memref<128x128xf32, #tpu.memory_space<vmem>>, %arg5: memref<1x128xf32, #tpu.memory_space<vmem>>, %arg6: memref<2000x128xf32, #tpu.memory_space<vmem>>) attributes {dimension_semantics = [#tpu.dimension_semantics<arbitrary>], iteration_bounds = array<i64: 5>, scalar_prefetch = 0 : i64, scratch_operands = 0 : i64, tpu.core_type = #tpu.core_type<tc>, window_params = [{transform_indices = @transform_0, window_bounds = array<i64: 2000, 128>}, {transform_indices = @transform_1, window_bounds = array<i64: 2, 2000, 128>}, {pipeline_mode = #tpu.pipeline_mode<synchronous>, transform_indices = @transform_2, window_bounds = array<i64: 128, 128>}, {pipeline_mode = #tpu.pipeline_mode<synchronous>, transform_indices = @transform_3, window_bounds = array<i64: 128, 128>}, {pipeline_mode = #tpu.pipeline_mode<synchronous>, transform_indices = @transform_4, window_bounds = array<i64: 1, 128>}, {transform_indices = @transform_5, window_bounds = array<i64: 2000, 128>}]} {
    %get3A = arith.constant 0 : index
    %get3A_0 = arith.constant 0 : index
    %get3A_1 = arith.constant 0 : index
    %get3A_2 = vector.load %arg2[%get3A, %get3A_0, %get3A_1] : memref<2x2000x128xf32, #tpu.memory_space<vmem>>, vector<1x2000x128xf32>
    %get3A_3 = vector.shape_cast %get3A_2 : vector<1x2000x128xf32> to vector<2000x128xf32>
    %get3A_4 = arith.constant 1 : index
    %get3A_5 = arith.constant 0 : index
    %get3A_6 = arith.constant 0 : index
    %get3A_7 = vector.load %arg2[%get3A_4, %get3A_5, %get3A_6] : memref<2x2000x128xf32, #tpu.memory_space<vmem>>, vector<1x2000x128xf32>
    %get3A_8 = vector.shape_cast %get3A_7 : vector<1x2000x128xf32> to vector<2000x128xf32>
    %add3A = arith.addf %get3A_3, %get3A_8 : vector<2000x128xf32>
    %get3A_9 = arith.constant 0 : index
    %get3A_10 = arith.constant 0 : index
    %get3A_11 = vector.load %arg1[%get3A_9, %get3A_10] : memref<2000x128xf32, #tpu.memory_space<vmem>>, vector<2000x128xf32>
    %get3A_12 = arith.constant 0 : index
    %get3A_13 = arith.constant 0 : index
    %get3A_14 = vector.load %arg3[%get3A_12, %get3A_13] : memref<128x128xf32, #tpu.memory_space<vmem>>, vector<128x128xf32>
    %dot_general3A = arith.constant dense<0.000000e+00> : vector<2000x128xf32>
    %dot_general3A_15 = tpu.matmul %get3A_11, %get3A_14, %dot_general3A {dimension_numbers = #tpu.dot_dimension_numbers<[1], [0], [0], [1], [0, 0, 1, 1], [], []>, transpose_lhs_hint = false} : vector<2000x128xf32>, vector<128x128xf32>, vector<2000x128xf32> -> vector<2000x128xf32>
    %get3A_16 = arith.constant 0 : index
    %get3A_17 = arith.constant 0 : index
    %get3A_18 = vector.load %arg4[%get3A_16, %get3A_17] : memref<128x128xf32, #tpu.memory_space<vmem>>, vector<128x128xf32>
    %dot_general3A_19 = arith.constant dense<0.000000e+00> : vector<2000x128xf32>
    %dot_general3A_20 = tpu.matmul %add3A, %get3A_18, %dot_general3A_19 {dimension_numbers = #tpu.dot_dimension_numbers<[1], [0], [0], [1], [0, 0, 1, 1], [], []>, transpose_lhs_hint = false} : vector<2000x128xf32>, vector<128x128xf32>, vector<2000x128xf32> -> vector<2000x128xf32>
    %add3A_21 = arith.addf %dot_general3A_15, %dot_general3A_20 : vector<2000x128xf32>
    %get3A_22 = arith.constant 0 : index
    %get3A_23 = arith.constant 0 : index
    %get3A_24 = vector.load %arg5[%get3A_22, %get3A_23] : memref<1x128xf32, #tpu.memory_space<vmem>>, vector<1x128xf32>
    %add3A_25 = vector.broadcast %get3A_24 : vector<1x128xf32> to vector<2000x128xf32>
    %add3A_26 = arith.addf %add3A_21, %add3A_25 : vector<2000x128xf32>
    %swap3A = arith.constant 0 : index
    %swap3A_27 = arith.constant 0 : index
    %swap3A_28 = vector.load %arg6[%swap3A, %swap3A_27] : memref<2000x128xf32, #tpu.memory_space<vmem>>, vector<2000x128xf32>
    tpu.vector_store %arg6[%swap3A, %swap3A_27], %add3A_26 {strides = array<i32>} : memref<2000x128xf32, #tpu.memory_space<vmem>>, vector<2000x128xf32>,
    return
  }
  func.func @transform_0(%arg0: i32) -> (i32, i32) {
    %c0_i32 = arith.constant 0 : i32
    %c0_i32_0 = arith.constant 0 : i32
    return %arg0, %c0_i32 : i32, i32
  }
  func.func @transform_1(%arg0: i32) -> (i32, i32, i32) {
    %c0_i32 = arith.constant 0 : i32
    %c0_i32_0 = arith.constant 0 : i32
    %c0_i32_1 = arith.constant 0 : i32
    return %c0_i32, %arg0, %c0_i32_0 : i32, i32, i32
  }
  func.func @transform_2(%arg0: i32) -> (i32, i32) {
    %c0_i32 = arith.constant 0 : i32
    %c0_i32_0 = arith.constant 0 : i32
    %c0_i32_1 = arith.constant 0 : i32
    return %c0_i32, %c0_i32_0 : i32, i32
  }
  func.func @transform_3(%arg0: i32) -> (i32, i32) {
    %c0_i32 = arith.constant 0 : i32
    %c0_i32_0 = arith.constant 0 : i32
    %c0_i32_1 = arith.constant 0 : i32
    return %c0_i32, %c0_i32_0 : i32, i32
  }
  func.func @transform_4(%arg0: i32) -> (i32, i32) {
    %c0_i32 = arith.constant 0 : i32
    %c0_i32_0 = arith.constant 0 : i32
    %c0_i32_1 = arith.constant 0 : i32
    return %c0_i32, %c0_i32_0 : i32, i32
  }
  func.func @transform_5(%arg0: i32) -> (i32, i32) {
    %c0_i32 = arith.constant 0 : i32
    %c0_i32_0 = arith.constant 0 : i32
    return %arg0, %c0_i32 : i32, i32
  }
}

</mosaic_0001>

<sc_bundles>
// kernel: sc_fused_edge.3.cloned.1.call-start
scs
__scs_entry_jumppad:
0x0: {  	(pc) =	sbr.rel $0x88, $3  }
0x1: {  	(tag) =	ssettag $0x0;
	lr =	simm.s32 $0x1  }
0x2: {  	[smem:$0x3F90] =	sst lr;
	_ =	strace $0xD0000000  }
0x3: {  	_ = 	snop  }
0x4: {  	_ = 	snop  }
0x5: {  	_ = 	snop  }
0x6: {  	_ = 	snop  }
0x7: {  	_ = 	snop  }
__scs_overlays_trampoline_lowered:
0x8: {  	[smem:$0x3F9F] =	sst s0  }
0x9: {  	[smem:$0x3FA0] =	sst s1  }
0xa: {  	[smem:$0x3FA1] =	sst s2  }
0xb: {  	[smem:$0x3FA2] =	sst s3  }
0xc: {  	[smem:$0x3FA3] =	sst s4  }
0xd: {  	[smem:$0x3FA4] =	sst s5  }
0xe: {  	[smem:$0x3FA5] =	sst s6  }
0xf: {  	[smem:$0x3FA6] =	sst s7  }
0x10: {  	[smem:$0x3FA7] =	sst s8  }
0x11: {  	[smem:$0x3FA8] =	sst s9;
	s0 =	simm.s32 @!p0 $0x0  }
0x12: {  	s1 =	sld [smem:$0x3F8E];
	s0 =	simm.s32 @p0 $0x1  }
0x13: {  	[smem:$0x3FA9] =	sst s0;
	s0 =	simm.s32 @!p1 $0x0  }
0x14: {  	s2 =	sld [smem:$0x3F8D];
	s0 =	simm.s32 @p1 $0x1  }
0x15: {  	[smem:$0x3FAA] =	sst s0;
	s0 =	simm.s32 @!p2 $0x0  }
0x16: {  	s3 =	sld [smem:$0x3FDB];
	s0 =	simm.s32 @p2 $0x1  }
0x17: {  	s4 =	simm.s32 $0x1BF5;
	[smem:$0x3FAC] =	sst s0  }
0x18: {  	s0 =	sld [smem:$0x3F8F];
	_ =	swait.ge [sflag:s4], $0x0  }
0x19: {  	s7 =	sld [smem:$0x3F90]  }
0x1a: {  	s8 =	sadd.s32 $0xFFFFE003, lr  }
0x1b: {  	s9 =	sadd.s32 $0xFFFFFEF7, lr;
	s5 =	simm.s32 $0xFFFFFFFF;
	p2 =	slt.u32 s8, $0xFFFFF086  }
0x1c: {  	p1 =	slt.u32 s9, $0xF7A;
	s5 =	simm.s32 @!p2 $0x0  }
0x1d: {  	s5 =	simm.s32 @p1 $0x1;
	p0 =	seq.s32 s7, s2  }
0x1e: {  	s7 =	smul.u32 @!p0 $0xF7A, s2;
	p2 =	seq.s32 @!p0 s5, $0x0  }
0x1f: {  	s9 =	smul.u32 $0xF7A, s1;
	s8 =	simm.s32 @!p0 $0x1BF5;
	p2 =	por !p2, p0  }
0x20: {  	[sflag:s8] =	ssyncset.s32 @!p0 $0xFFFFF086;
	s6 =	sadd.s32 @!p0 s3, s7;
	s7 =	simm.s32 @!p0 $0x108  }
0x21: {  	s3 =	sadd.s32 s3, s9;
	s6 =	sadd.s32 @!p0 $0x88, s6;
	s7 =	simm.s32 @p2 $0x1082  }
0x22: {  	[simem:s7], [sflag:s8] =	dma.local @!p0 [hbm:s6], $0xF7A  }
0x23: {  	s9 =	sor.u32 $0xD0000000, s2;
	s6 =	simm.s32 $0x108;
	_ =	swait.ge @!p0 [sflag:s8], $0x0  }
0x24: {  	s3 =	sadd.s32 $0x88, s3;
	s6 =	simm.s32 @!p1 $0x1082;
	[sflag:s4] =	ssyncset.s32 $0xFFFFF086  }
0x25: {  	[simem:s6], [sflag:s4] =	dma.local [hbm:s3], $0xF7A  }
0x26: {  	[smem:$0x3F90] =	sst s1;
	(tag) =	ssettag s2;
	_ =	strace s9  }
0x27: {  	s1 =	sld [smem:$0x3FA0]  }
0x28: {  	s2 =	sld [smem:$0x3FA1]  }
0x29: {  	s4 =	sld [smem:$0x3FA3]  }
0x2a: {  	p0 =	seq.s32 s5, $0x0;
	s5 =	sld [smem:$0x3FA4]  }
0x2b: {  	s6 =	sld [smem:$0x3FA5]  }
0x2c: {  	s7 =	sld [smem:$0x3FA6]  }
0x2d: {  	s3 =	simm.s32 $0x108;
	s8 =	sld [smem:$0x3FA7]  }
0x2e: {  	s3 =	simm.s32 @!p0 $0x1082;
	s9 =	sld [smem:$0x3FA8]  }
0x2f: {  	lr =	sadd.s32 s0, s3;
	s0 =	sld [smem:$0x3F9F]  }
0x30: {  	s3 =	sld [smem:$0x3FA2]  }
0x31: {  	[smem:$0x3FAB] =	sst s10  }
0x32: {  	s10 =	sld [smem:$0x3FA9];
	_ =	sdelay $0x3  }
0x33: {  	p0 =	seq.s32 s10, $0x1;
	s10 =	sld [smem:$0x3FAB];
	_ =	sdelay $0x3  }
0x34: {  	[smem:$0x3FAB] =	sst s10  }
0x35: {  	s10 =	sld [smem:$0x3FAA];
	_ =	sdelay $0x3  }
0x36: {  	p1 =	seq.s32 s10, $0x1;
	s10 =	sld [smem:$0x3FAB];
	_ =	sdelay $0x3  }
0x37: {  	[smem:$0x3FAB] =	sst s10  }
0x38: {  	s10 =	sld [smem:$0x3FAC]  }
0x39: {  	_ = 	snop;
	(pc) =	sbr.ind lr, $3  }
0x3a: {  	_ = 	snop  }
0x3b: {  	_ = 	snop  }
0x3c: {  	p2 =	seq.s32 s10, $0x1;
	s10 =	sld [smem:$0x3FAB]  }
0x3d: {  	_ =	shalt  }
0x3e: {  	_ =	shalt  }
0x3f: {  	_ =	shalt  }
0x40: {  	_ =	shalt  }
0x41: {  	_ =	shalt  }
0x42: {  	_ =	shalt  }
0x43: {  	_ =	shalt  }
0x44: {  	_ =	shalt  }
0x45: {  	_ =	shalt  }
0x46: {  	_ =	shalt  }
0x47: {  	_ =	shalt  }
0x48: {  	_ =	shalt  }
0x49: {  	_ =	shalt  }
0x4a: {  	_ =	shalt  }
0x4b: {  	_ =	shalt  }
0x4c: {  	_ =	shalt  }
0x4d: {  	_ =	shalt  }
0x4e: {  	_ =	shalt  }
0x4f: {  	_ =	shalt  }
0x50: {  	_ =	shalt  }
0x51: {  	_ =	shalt  }
0x52: {  	_ =	shalt  }
0x53: {  	_ =	shalt  }
0x54: {  	_ =	shalt  }
0x55: {  	_ =	shalt  }
0x56: {  	_ =	shalt  }
0x57: {  	_ =	shalt  }
0x58: {  	_ =	shalt  }
0x59: {  	_ =	shalt  }
0x5a: {  	_ =	shalt  }
0x5b: {  	_ =	shalt  }
0x5c: {  	_ =	shalt  }
0x5d: {  	_ =	shalt  }
0x5e: {  	_ =	shalt  }
0x5f: {  	_ =	shalt  }
0x60: {  	_ =	shalt  }
0x61: {  	_ =	shalt  }
0x62: {  	_ =	shalt  }
0x63: {  	_ =	shalt  }
0x64: {  	_ =	shalt  }
0x65: {  	_ =	shalt  }
0x66: {  	_ =	shalt  }
0x67: {  	_ =	shalt  }
0x68: {  	_ =	shalt  }
0x69: {  	_ =	shalt  }
0x6a: {  	_ =	shalt  }
0x6b: {  	_ =	shalt  }
0x6c: {  	_ =	shalt  }
0x6d: {  	_ =	shalt  }
0x6e: {  	_ =	shalt  }
0x6f: {  	_ =	shalt  }
0x70: {  	_ =	shalt  }
0x71: {  	_ =	shalt  }
0x72: {  	_ =	shalt  }
0x73: {  	_ =	shalt  }
0x74: {  	_ =	shalt  }
0x75: {  	_ =	shalt  }
0x76: {  	_ =	shalt  }
0x77: {  	_ =	shalt  }
0x78: {  	_ =	shalt  }
0x79: {  	_ =	shalt  }
0x7a: {  	_ =	shalt  }
0x7b: {  	_ =	shalt  }
0x7c: {  	_ =	shalt  }
0x7d: {  	_ =	shalt  }
0x7e: {  	_ =	shalt  }
0x7f: {  	_ =	shalt  }
0x80: {  	_ =	shalt  }
0x81: {  	_ =	shalt  }
0x82: {  	_ =	shalt  }
0x83: {  	_ =	shalt  }
0x84: {  	_ =	shalt  }
0x85: {  	_ =	shalt  }
0x86: {  	_ =	shalt  }
0x87: {  	_ =	shalt  }
.Lfunc_end0:
.L_simem_size_0:
called_computation_lowered:
.L_overlay_start_0:
0x88: {  	s2 =	sld [smem:$0x3FD9]  }
0x89: {  	s3 =	sld [smem:$0x3FFE];
	_ =	sdelay $0x1  }
0x8a: {  	s1 =	srdreg.scid  }
0x8b: {  	s0 =	sand.u32 $0x1, s1  }
0x8c: {  	s14 =	sshll.u32 s0, $0xA;
	s2 =	sadd.s32 s3, s2  }
0x8d: {  	s2 =	sadd.s32 s2, s14  }
0x8e: {  	[smem:$0x3FB7] =	sst s2  }
0x8f: {  	_ = 	snop  }
0x90: {  	s2 =	sld [smem:$0x3FD0];
	_ =	sdelay $0x2  }
0x91: {  	s15 =	simm.s32 $0xA;
	s4 =	simm.s32 $0x10  }
0x92: {  	[smem:s4], [sflag:s15] =	dma.local [hbm:s2], $0x1  }
0x93: {  	_ =	swait.eq [sflag:s15], $0x1  }
0x94: {  	[sflag:s15] =	ssyncset.done $0x0  }
0x95: {  	s16 =	sld [smem:$0x10];
	[sflag:s15] =	ssyncadd.s32 $0xFFFFFFFF  }
0x96: {  	s17 =	sld [smem:$0x11];
	(tm) =	ssettm $0x1  }
0x97: {  	s18 =	sld [smem:$0x3FFB];
	_ =	sdelay $0x3  }
0x98: {  	_ =	strace s18  }
0x99: {  	s4 =	sld [smem:$0x3FFC];
	_ =	sdelay $0x3  }
0x9a: {  	_ =	strace s4  }
0x9b: {  	s4 =	sld [smem:$0x3FFD];
	_ =	sdelay $0x3  }
0x9c: {  	_ =	strace s4  }
0x9d: {  	_ =	strace $0x8FFFFFFF  }
0x9e: {  	s19 =	sld [smem:$0x3FDB];
	_ =	sdelay $0x1  }
0x9f: {  	s5 =	simm.s32 $_scs_section_size  }
0xa0: {  	s6 =	simm.s32 $_size__tile_overlayer_lowered;
	s7 =	simm.s32 $_tile_overlayer_lowered  }
0xa1: {  	s22 =	simm.s32 $0x1BFF;
	s21 =	sshll.u32 s7, $0x1;
	s4 =	sadd.s32 s5, s19  }
0xa2: {  	s8 =	simm.s32 $0x0;
	s20 =	sshll.u32 s6, $0x1;
	s6 =	sadd.s32 s21, s4  }
0xa3: {  	[timem:s8], [sflag:s22] =	dma.local [hbm:s6], s20  }
0xa4: {  	_ =	swait.ge [sflag:s22], s20  }
0xa5: {  	s5 =	ssub.s32 $0x0, s20;
	[sflag:s22] =	ssyncset.done $0x0  }
0xa6: {  	[sflag:s22] =	ssyncadd.s32 s5;
	_ =	sdelay $0x1  }
0xa7: {  	s23 =	simm.s32 $0x1B8B  }
0xa8: {  	_ =	swait.ge [sflag:s23], $0x1  }
0xa9: {  	[sflag:s23] =	ssyncset.done $0x0  }
0xaa: {  	s25 =	simm.s32 $0x1B8E;
	s24 =	sld [smem:$0x3FFE];
	[sflag:s23] =	ssyncadd.s32 $0xFFFFFFFF  }
0xab: {  	s26 =	simm.s32 $execute0_lowered;
	[smem:$0x3FD2] =	sst s25  }
0xac: {  	s6 =	sshll.u32 s26, $0x1;
	_ =	strace $0x80000046;
	[dreg:$0x1] =	wrdreg $0xFFFFFFFF  }
0xad: {  	s28 =	simm.s32 $_size_execute0_lowered;
	s4 =	sadd.s32 s4, s6;
	[dreg:$0x0] =	wrdreg $0x0  }
0xae: {  	s6 =	sshll.u32 s28, $0x1;
	[dreg:$0x2] =	wrdreg s4  }
0xaf: {  	[dreg:$0x3] =	wrdreg s6  }
0xb0: {  	[dreg:$0x4] =	wrdreg $0xC0  }
0xb1: {  	_ =	task [dreg:s8], $0x5FFFF  }
0xb2: {  	[dreg:$0x1] =	wrdreg $0xFFFFFFFF  }
0xb3: {  	[dreg:$0x0] =	wrdreg $0x60  }
0xb4: {  	[dreg:$0x2] =	wrdreg s17  }
0xb5: {  	[dreg:$0x3] =	wrdreg s24  }
0xb6: {  	[dreg:$0x4] =	wrdreg s16  }
0xb7: {  	[dreg:$0x5] =	wrdreg $0xA2000  }
0xb8: {  	[dreg:$0x6] =	wrdreg $0x9  }
0xb9: {  	_ =	task.clear_ibuf [dreg:s8], $0x7FFFF;
	_ =	strace $0x90000046  }
0xba: {  	s29 =	simm.s32 $0x9;
	_ =	strace $0x80000048  }
0xbb: {  	_ =	swait.ge [sflag:s29], $0x1  }
0xbc: {  	[sflag:s29] =	ssyncadd.s32 $0xFFFFFFFF  }
0xbd: {  	_ =	strace $0x90000048  }
0xbe: {  	_ =	sfence  }
0xbf: {  	s30 =	sld [smem:$0x0];
	_ =	sdelay $0x2  }
0xc0: {  	s31 =	sshll.u32 s1, $0xD;
	s1 =	sshrl.u32 s1, $0x2  }
0xc1: {  	s3 =	sand.u32 $0x4000, s31;
	s1 =	sadd.s32 s1, s30  }
0xc2: {  	s0 =	sor.u32 s3, s0;
	s1 =	sshll.u32 s1, $0x11  }
0xc3: {  	s0 =	sor.u32 s1, s0  }
0xc4: {  	s0 =	sadd.s32 $0x8F2B, s0  }
0xc5: {  	[sflag:s0] =	ssyncadd.remote.s32 $0x1  }
0xc6: {  	_ =	sfence.sel $0xFFFF  }
0xc7: {  	[dreg:$0x0] =	wrdreg $0xFFFFFFFF;
	(pc) =	sbr.abs _section_cstart, $3  }
0xc8: {  	[dreg:$0x1] =	wrdreg $0xFFFFFFFF  }
0xc9: {  	_ =	task.clear_ibuf [dreg:s8], $0x2FFFF;
	_ =	strace $0x9FFFFFFF  }
0xca: {  	(tm) =	ssettm $0x7FFFFFFF  }
0xcb: {  	_ =	shalt  }
tec
execute0_lowered:
.L_overlay_start_1:
0x0: {  	(tag) =	ssettag $0x1  }
0x1: {  	s1 =	rddreg [dreg:$0x0]  }
0x2: {  	s0 =	rddreg [dreg:$0x1]  }
0x3: {  	s2 =	rddreg [dreg:$0x2]  }
0x4: {  	s3 =	rddreg [dreg:$0x3]  }
0x5: {  	s4 =	simm.s32 $0x0;
	s5 =	srdreg.scid;
	s9 =	stileid.u32  }
0x6: {  	s18 =	simm.s32 $0x100;
	s19 =	simm.s32 $0x200;
	s20 =	simm.s32 $0x1  }
0x7: {  	s29 =	simm.s32 $0x3;
	s30 =	simm.s32 $0x4;
	s31 =	simm.s32 $0x5  }
0x8: {  	s15 =	simm.s32 $0x0;
	[smem:$0x7FF] =	sst s4;
	s10 =	sand.u32 $0x1, s5  }
0x9: {  	s21 =	sshll.u32 s9, $0x1;
	s5 =	sadd.s32 $0x15E00, s0;
	s6 =	sadd.s32 $0xC000, s0  }
0xa: {  	s8 =	sadd.s32 $0x2200, s0;
	s12 =	sadd.s32 $0x4F7E00, s0;
	p0 =	sne.s32 s9, $0x0  }
0xb: {  	s9 =	simm.s32 $0x6;
	_ =	strace $0x80000047;
	s7 =	sor.u32 s10, s21  }
0xc: {  	s11 =	smul.u32 $0x27100, s10;
	s10 =	ssub.s32 $0x2, s10;
	[dreg:$0x5] =	wrdreg s12  }
0xd: {  	s21 =	simm.s32 $0x50;
	s7 =	smul.u32 $0x2710, s7;
	s22 =	sshrl.u32 s10, $0x1  }
0xe: {  	s0 =	sadd.s32 s11, s0;
	s23 =	ssub.s32 s10, s22;
	s22 =	simm.s32 $0x5200  }
0xf: {  	s11 =	simm.s32 $0x8;
	s13 =	sadd.s32 $0x26C0, s7;
	s0 =	sadd.s32 $0x51F000, s0  }
0x10: {  	s28 =	smax.u32 s23, $0x1;
	s24 =	sshrl.u32 s13, $0x3;
	[dreg:$0xa] =	wrdreg s0  }
0x11: {  	s10 =	sadd.s32 $0x50, s7;
	[dreg:$0xb] =	wrdreg s28;
	s14 =	sadd.s32 s6, s24  }
0x12: {  	s13 =	sshll.u32 s13, $0x4;
	s12 =	sadd.s32 s8, s24;
	[dreg:$0x6] =	wrdreg s14  }
0x13: {  	s23 =	simm.s32 $0x80;
	s25 =	sadd.s32 s5, s13;
	[dreg:$0x7] =	wrdreg s12  }
0x14: {  	s0 =	simm.s32 $0x7;
	s26 =	sadd.s32 s2, s13;
	[dreg:$0x8] =	wrdreg s25  }
0x15: {  	s24 =	simm.s32 $0x180;
	[dreg:$0x9] =	wrdreg s26;
	s14 =	sshrl.u32 @!p0 s3, $0x3  }
0x16: {  	s25 =	simm.s32 $0x2A00;
	s26 =	simm.s32 $0x2;
	[dreg:$0xc] =	wrdreg s14  }
.LBB2_1:
0x17: {  	[dreg:$0xd] =	wrdreg s15  }
0x18: {  	s12 =	simm.s32 @!p0 $0x1C09;
	s13 =	rddreg [dreg:$0x5]  }
0x19: {  	[spmem:s14], [sflag:s12] =	dma.local @!p0 [hbm:s13], $0x27100  }
0x1a: {  	s12 =	simm.s32 @!p0 $0x9  }
0x1b: {  	_ =	swait.ge @!p0 [sflag:s12], $0x27100  }
0x1c: {  	[sflag:s12] =	ssyncset.done @!p0 $0x0  }
0x1d: {  	[sflag:s12] =	ssyncadd.s32 @!p0 $0xFFFD8F00  }
0x1e: {  	s13 =	simm.s32 $0x0;
	[bflag:$0x0] =	sbarrier.arrive $0xFFFF  }
.LBB2_2:
0x1f: {  	s12 =	smul.u32 $0xA0, s13;
	_ =	sdelay $0x1  }
0x20: {  	s14 =	sadd.s32 s7, s12  }
0x21: {  	s15 =	sshrl.u32 s14, $0x3  }
0x22: {  	s16 =	sadd.s32 s6, s15  }
0x23: {  	[tilespmem:s4], [sflag:$0x1] =	stream.linear.gather [hbm4b:s16+s4], $0x50, $0x38;
	[tilespmem:$0x1DA80] =	vst v63  }
0x24: {  	s15 =	sadd.s32 s8, s15  }
0x25: {  	[tilespmem:s18], [sflag:$0x1] =	stream.linear.gather [hbm4b:s15+s4], $0x50, $0x38;
	[tilespmem:$0x1DA80] =	vst v63  }
0x26: {  	s15 =	sshll.u32 s14, $0x4  }
0x27: {  	s14 =	sadd.s32 s5, s15  }
0x28: {  	[tilespmem:s19], [sflag:$0x1] =	stream.linear.gather [hbm4b:s14+s4], $0x2800, $0x38;
	[tilespmem:$0x1DA80] =	vst v63  }
0x29: {  	_ =	swait.ge [sflag:s20], $0x50  }
0x2a: {  	s12 =	sadd.s32 s12, s10;
	[sflag:s20] =	ssyncset.done $0x0  }
0x2b: {  	s14 =	sshrl.u32 s12, $0x3;
	[sflag:s20] =	ssyncadd.s32 $0xFFFFFFB0  }
0x2c: {  	[tilespmem:s22], [sflag:$0x3] =	stream.indirect.gather [hbm4b:s1+s21], $0x80, s4, s21, $0xb8;
	[tilespmem:$0x1DA80] =	vst v63  }
0x2d: {  	s17 =	sadd.s32 s6, s14  }
0x2e: {  	[tilespmem:s23], [sflag:$0x2] =	stream.linear.gather [hbm4b:s17+s4], $0x50, $0x38;
	[tilespmem:$0x1DA80] =	vst v63  }
0x2f: {  	s14 =	sadd.s32 s8, s14  }
0x30: {  	[tilespmem:s24], [sflag:$0x2] =	stream.linear.gather [hbm4b:s14+s4], $0x50, $0x38;
	[tilespmem:$0x1DA80] =	vst v63  }
0x31: {  	s14 =	sshll.u32 s12, $0x4  }
0x32: {  	s12 =	sadd.s32 s5, s14  }
0x33: {  	[tilespmem:s25], [sflag:$0x2] =	stream.linear.gather [hbm4b:s12+s4], $0x2800, $0x38;
	[tilespmem:$0x1DA80] =	vst v63  }
0x34: {  	_ =	swait.ge [sflag:s26], $0x50  }
0x35: {  	[sflag:s26] =	ssyncset.done $0x0  }
0x36: {  	s17 =	simm.s32 $0x7A00;
	[sflag:s26] =	ssyncadd.s32 $0xFFFFFFB0  }
0x37: {  	[tilespmem:s17], [sflag:$0x4] =	stream.indirect.gather [hbm4b:s1+s21], $0x80, s23, s21, $0xb8;
	[tilespmem:$0x1DA80] =	vst v63  }
0x38: {  	_ =	swait.ge [sflag:s20], $0x2800  }
0x39: {  	[sflag:s20] =	ssyncset.done $0x0  }
0x3a: {  	[sflag:s20] =	ssyncadd.s32 $0xFFFFD800  }
0x3b: {  	_ =	swait.ge [sflag:s29], $0x2800  }
0x3c: {  	[sflag:s29] =	ssyncset.done $0x0  }
0x3d: {  	s16 =	simm.s32 $0x300;
	[sflag:s29] =	ssyncadd.s32 $0xFFFFD800  }
0x3e: {  	s17 =	simm.s32 $0x5300;
	v0 =	vld [tilespmem:s16+$0x80]  }
0x3f: {  	v1 =	vld [tilespmem:s17+$0x80]  }
0x40: {  	v2 =	vld [tilespmem:s16+$0xFFFFFF80]  }
0x41: {  	v3 =	vld [tilespmem:s17+$0xFFFFFF80]  }
0x42: {  	v4 =	vld [tilespmem:s16+$0x0]  }
0x43: {  	v5 =	vld [tilespmem:s17+$0x0]  }
0x44: {  	v6 =	vld [tilespmem:s16+$0xFFFFFF00];
	v0 =	vadd.f32 v1, v0  }
0x45: {  	v1 =	vld [tilespmem:s17+$0xFFFFFF00]  }
0x46: {  	[tilespmem:s16+$0x80] =	vst v0;
	v0 =	vld [tilespmem:s16+$0x90]  }
0x47: {  	v2 =	vadd.f32 v3, v2;
	v3 =	vld [tilespmem:s17+$0x90]  }
0x48: {  	v7 =	vld [tilespmem:s16+$0xFFFFFF10]  }
0x49: {  	[tilespmem:s16+$0xFFFFFF80] =	vst v2;
	v2 =	vadd.f32 v5, v4;
	v4 =	vld [tilespmem:s16+$0xFFFFFF90]  }
0x4a: {  	v5 =	vld [tilespmem:s17+$0xFFFFFF90];
	v1 =	vadd.f32 v1, v6  }
0x4b: {  	[tilespmem:s16+$0x0] =	vst v2;
	v2 =	vld [tilespmem:s16+$0x10]  }
0x4c: {  	v6 =	vld [tilespmem:s17+$0x10];
	[tilespmem:s16+$0xFFFFFF00] =	vst v1;
	v0 =	vadd.f32 v3, v0  }
0x4d: {  	v1 =	vld [tilespmem:s17+$0xFFFFFF10]  }
0x4e: {  	[tilespmem:s16+$0x90] =	vst v0;
	v0 =	vld [tilespmem:s16+$0xA0]  }
0x4f: {  	v3 =	vadd.f32 v5, v4;
	v4 =	vld [tilespmem:s17+$0xA0]  }
0x50: {  	v5 =	vld [tilespmem:s16+$0xFFFFFF20]  }
0x51: {  	[tilespmem:s16+$0xFFFFFF90] =	vst v3;
	v2 =	vadd.f32 v6, v2;
	v3 =	vld [tilespmem:s16+$0xFFFFFFA0]  }
0x52: {  	v6 =	vld [tilespmem:s17+$0xFFFFFFA0];
	v1 =	vadd.f32 v1, v7  }
0x53: {  	[tilespmem:s16+$0x10] =	vst v2;
	v2 =	vld [tilespmem:s16+$0x20]  }
0x54: {  	v7 =	vld [tilespmem:s17+$0x20];
	[tilespmem:s16+$0xFFFFFF10] =	vst v1;
	v0 =	vadd.f32 v4, v0  }
0x55: {  	v1 =	vld [tilespmem:s17+$0xFFFFFF20]  }
0x56: {  	[tilespmem:s16+$0xA0] =	vst v0;
	v0 =	vld [tilespmem:s16+$0xB0]  }
0x57: {  	v3 =	vadd.f32 v6, v3;
	v4 =	vld [tilespmem:s17+$0xB0]  }
0x58: {  	v6 =	vld [tilespmem:s16+$0xFFFFFF30]  }
0x59: {  	[tilespmem:s16+$0xFFFFFFA0] =	vst v3;
	v2 =	vadd.f32 v7, v2;
	v3 =	vld [tilespmem:s16+$0xFFFFFFB0]  }
0x5a: {  	v7 =	vld [tilespmem:s17+$0xFFFFFFB0];
	v1 =	vadd.f32 v1, v5  }
0x5b: {  	[tilespmem:s16+$0x20] =	vst v2;
	v2 =	vld [tilespmem:s16+$0x30]  }
0x5c: {  	v5 =	vld [tilespmem:s17+$0x30];
	[tilespmem:s16+$0xFFFFFF20] =	vst v1;
	v0 =	vadd.f32 v4, v0  }
0x5d: {  	v1 =	vld [tilespmem:s17+$0xFFFFFF30]  }
0x5e: {  	[tilespmem:s16+$0xB0] =	vst v0;
	v0 =	vld [tilespmem:s16+$0xC0]  }
0x5f: {  	v3 =	vadd.f32 v7, v3;
	v4 =	vld [tilespmem:s17+$0xC0]  }
0x60: {  	v7 =	vld [tilespmem:s16+$0xFFFFFF40]  }
0x61: {  	[tilespmem:s16+$0xFFFFFFB0] =	vst v3;
	v2 =	vadd.f32 v5, v2;
	v3 =	vld [tilespmem:s16+$0xFFFFFFC0]  }
0x62: {  	v5 =	vld [tilespmem:s17+$0xFFFFFFC0];
	v1 =	vadd.f32 v1, v6  }
0x63: {  	[tilespmem:s16+$0x30] =	vst v2;
	v2 =	vld [tilespmem:s16+$0x40]  }
0x64: {  	v6 =	vld [tilespmem:s17+$0x40];
	[tilespmem:s16+$0xFFFFFF30] =	vst v1;
	v0 =	vadd.f32 v4, v0  }
0x65: {  	v1 =	vld [tilespmem:s17+$0xFFFFFF40]  }
0x66: {  	[tilespmem:s16+$0xC0] =	vst v0;
	v0 =	vld [tilespmem:s16+$0xD0]  }
0x67: {  	v3 =	vadd.f32 v5, v3;
	v4 =	vld [tilespmem:s17+$0xD0]  }
0x68: {  	v5 =	vld [tilespmem:s16+$0xFFFFFF50]  }
0x69: {  	[tilespmem:s16+$0xFFFFFFC0] =	vst v3;
	v2 =	vadd.f32 v6, v2;
	v3 =	vld [tilespmem:s16+$0xFFFFFFD0]  }
0x6a: {  	v6 =	vld [tilespmem:s17+$0xFFFFFFD0];
	v1 =	vadd.f32 v1, v7  }
0x6b: {  	[tilespmem:s16+$0x40] =	vst v2;
	v2 =	vld [tilespmem:s16+$0x50]  }
0x6c: {  	v7 =	vld [tilespmem:s17+$0x50];
	[tilespmem:s16+$0xFFFFFF40] =	vst v1;
	v0 =	vadd.f32 v4, v0  }
0x6d: {  	v1 =	vld [tilespmem:s17+$0xFFFFFF50]  }
0x6e: {  	[tilespmem:s16+$0xD0] =	vst v0;
	v0 =	vld [tilespmem:s16+$0xE0]  }
0x6f: {  	v3 =	vadd.f32 v6, v3;
	v4 =	vld [tilespmem:s17+$0xE0]  }
0x70: {  	v6 =	vld [tilespmem:s16+$0xFFFFFF60]  }
0x71: {  	[tilespmem:s16+$0xFFFFFFD0] =	vst v3;
	v2 =	vadd.f32 v7, v2;
	v3 =	vld [tilespmem:s16+$0xFFFFFFE0]  }
0x72: {  	v7 =	vld [tilespmem:s17+$0xFFFFFFE0];
	v1 =	vadd.f32 v1, v5  }
0x73: {  	[tilespmem:s16+$0x50] =	vst v2;
	v2 =	vld [tilespmem:s16+$0x60]  }
0x74: {  	v5 =	vld [tilespmem:s17+$0x60];
	[tilespmem:s16+$0xFFFFFF50] =	vst v1;
	v0 =	vadd.f32 v4, v0  }
0x75: {  	v4 =	vld [tilespmem:s17+$0xFFFFFF60]  }
0x76: {  	v8 =	vld [tilespmem:s16+$0xF0];
	[tilespmem:s16+$0xE0] =	vst v0  }
0x77: {  	v1 =	vadd.f32 v7, v3;
	v7 =	vld [tilespmem:s17+$0xF0]  }
0x78: {  	v0 =	vld [tilespmem:s16+$0xFFFFFF70]  }
0x79: {  	[tilespmem:s16+$0xFFFFFFE0] =	vst v1;
	v2 =	vadd.f32 v5, v2;
	v1 =	vld [tilespmem:s16+$0xFFFFFFF0]  }
0x7a: {  	v3 =	vld [tilespmem:s17+$0xFFFFFFF0];
	v4 =	vadd.f32 v4, v6  }
0x7b: {  	[tilespmem:s16+$0x60] =	vst v2;
	v2 =	vld [tilespmem:s16+$0x70]  }
0x7c: {  	[tilespmem:s16+$0xFFFFFF60] =	vst v4;
	v4 =	vld [tilespmem:s17+$0x70];
	v6 =	vadd.f32 v7, v8  }
0x7d: {  	s28 =	simm.s32 $0x500;
	s12 =	simm.s32 $0x0;
	v5 =	vld [tilespmem:s17+$0xFFFFFF70]  }
.LBB2_3:
0x7e: {  	v7 =	vld [tilespmem:s28+$0x80];
	[tilespmem:s16+$0xF0] =	vst v6;
	s17 =	sadd.s32 $0x200, s17  }
0x7f: {  	s12 =	sadd.s32 $0x4, s12;
	v6 =	vld [tilespmem:s17+$0x80];
	v1 =	vadd.f32 v3, v1  }
0x80: {  	p1 =	slt.u32 s12, $0x4C;
	v3 =	vld [tilespmem:s17+$0xFFFFFF00]  }
0x81: {  	v8 =	vld [tilespmem:s28+$0xFFFFFF80];
	[tilespmem:s16+$0xFFFFFFF0] =	vst v1;
	v1 =	vadd.f32 v4, v2  }
0x82: {  	v2 =	vld [tilespmem:s17+$0xFFFFFF80];
	v0 =	vadd.f32 v5, v0  }
0x83: {  	v4 =	vld [tilespmem:s28+$0x0];
	[tilespmem:s16+$0x70] =	vst v1  }
0x84: {  	v1 =	vld [tilespmem:s17+$0x0];
	v5 =	vadd.f32 v6, v7;
	[tilespmem:s16+$0xFFFFFF70] =	vst v0;
	s16 =	smov.u32 s28  }
0x85: {  	v0 =	vld [tilespmem:s28+$0xFFFFFF00]  }
0x86: {  	[tilespmem:s28+$0x80] =	vst v5;
	v5 =	vld [tilespmem:s28+$0x90]  }
0x87: {  	v2 =	vadd.f32 v2, v8;
	v6 =	vld [tilespmem:s17+$0x90]  }
0x88: {  	v7 =	vld [tilespmem:s28+$0xFFFFFF10]  }
0x89: {  	[tilespmem:s28+$0xFFFFFF80] =	vst v2;
	v2 =	vld [tilespmem:s28+$0xFFFFFF90];
	v1 =	vadd.f32 v1, v4  }
0x8a: {  	v0 =	vadd.f32 v3, v0;
	v3 =	vld [tilespmem:s17+$0xFFFFFF90]  }
0x8b: {  	[tilespmem:s28+$0x0] =	vst v1;
	v1 =	vld [tilespmem:s28+$0x10]  }
0x8c: {  	[tilespmem:s28+$0xFFFFFF00] =	vst v0;
	v0 =	vld [tilespmem:s17+$0x10];
	v4 =	vadd.f32 v6, v5  }
0x8d: {  	v5 =	vld [tilespmem:s17+$0xFFFFFF10]  }
0x8e: {  	[tilespmem:s28+$0x90] =	vst v4;
	v4 =	vld [tilespmem:s28+$0xA0]  }
0x8f: {  	v2 =	vadd.f32 v3, v2;
	v3 =	vld [tilespmem:s17+$0xA0]  }
0x90: {  	v6 =	vld [tilespmem:s28+$0xFFFFFF20]  }
0x91: {  	[tilespmem:s28+$0xFFFFFF90] =	vst v2;
	v2 =	vld [tilespmem:s28+$0xFFFFFFA0];
	v0 =	vadd.f32 v0, v1  }
0x92: {  	v1 =	vadd.f32 v5, v7;
	v5 =	vld [tilespmem:s17+$0xFFFFFFA0]  }
0x93: {  	[tilespmem:s28+$0x10] =	vst v0;
	v0 =	vld [tilespmem:s28+$0x20]  }
0x94: {  	[tilespmem:s28+$0xFFFFFF10] =	vst v1;
	v1 =	vld [tilespmem:s17+$0x20];
	v3 =	vadd.f32 v3, v4  }
0x95: {  	v4 =	vld [tilespmem:s17+$0xFFFFFF20]  }
0x96: {  	[tilespmem:s28+$0xA0] =	vst v3;
	v3 =	vld [tilespmem:s28+$0xB0]  }
0x97: {  	v2 =	vadd.f32 v5, v2;
	v5 =	vld [tilespmem:s17+$0xB0]  }
0x98: {  	v7 =	vld [tilespmem:s28+$0xFFFFFF30]  }
0x99: {  	[tilespmem:s28+$0xFFFFFFA0] =	vst v2;
	v2 =	vld [tilespmem:s28+$0xFFFFFFB0];
	v0 =	vadd.f32 v1, v0  }
0x9a: {  	v1 =	vadd.f32 v4, v6;
	v4 =	vld [tilespmem:s17+$0xFFFFFFB0]  }
0x9b: {  	[tilespmem:s28+$0x20] =	vst v0;
	v0 =	vld [tilespmem:s28+$0x30]  }
0x9c: {  	[tilespmem:s28+$0xFFFFFF20] =	vst v1;
	v1 =	vld [tilespmem:s17+$0x30];
	v3 =	vadd.f32 v5, v3  }
0x9d: {  	v5 =	vld [tilespmem:s17+$0xFFFFFF30]  }
0x9e: {  	[tilespmem:s28+$0xB0] =	vst v3;
	v3 =	vld [tilespmem:s28+$0xC0]  }
0x9f: {  	v2 =	vadd.f32 v4, v2;
	v4 =	vld [tilespmem:s17+$0xC0]  }
0xa0: {  	v6 =	vld [tilespmem:s28+$0xFFFFFF40]  }
0xa1: {  	[tilespmem:s28+$0xFFFFFFB0] =	vst v2;
	v2 =	vld [tilespmem:s28+$0xFFFFFFC0];
	v0 =	vadd.f32 v1, v0  }
0xa2: {  	v1 =	vadd.f32 v5, v7;
	v5 =	vld [tilespmem:s17+$0xFFFFFFC0]  }
0xa3: {  	[tilespmem:s28+$0x30] =	vst v0;
	v0 =	vld [tilespmem:s28+$0x40]  }
0xa4: {  	[tilespmem:s28+$0xFFFFFF30] =	vst v1;
	v1 =	vld [tilespmem:s17+$0x40];
	v3 =	vadd.f32 v4, v3  }
0xa5: {  	v4 =	vld [tilespmem:s17+$0xFFFFFF40]  }
0xa6: {  	[tilespmem:s28+$0xC0] =	vst v3;
	v3 =	vld [tilespmem:s28+$0xD0]  }
0xa7: {  	v2 =	vadd.f32 v5, v2;
	v5 =	vld [tilespmem:s17+$0xD0]  }
0xa8: {  	v7 =	vld [tilespmem:s28+$0xFFFFFF50]  }
0xa9: {  	[tilespmem:s28+$0xFFFFFFC0] =	vst v2;
	v2 =	vld [tilespmem:s28+$0xFFFFFFD0];
	v0 =	vadd.f32 v1, v0  }
0xaa: {  	v1 =	vadd.f32 v4, v6;
	v4 =	vld [tilespmem:s17+$0xFFFFFFD0]  }
0xab: {  	[tilespmem:s28+$0x40] =	vst v0;
	v0 =	vld [tilespmem:s28+$0x50]  }
0xac: {  	[tilespmem:s28+$0xFFFFFF40] =	vst v1;
	v1 =	vld [tilespmem:s17+$0x50];
	v3 =	vadd.f32 v5, v3  }
0xad: {  	v5 =	vld [tilespmem:s17+$0xFFFFFF50]  }
0xae: {  	[tilespmem:s28+$0xD0] =	vst v3;
	v3 =	vld [tilespmem:s28+$0xE0]  }
0xaf: {  	v2 =	vadd.f32 v4, v2;
	v4 =	vld [tilespmem:s17+$0xE0]  }
0xb0: {  	v6 =	vld [tilespmem:s28+$0xFFFFFF60]  }
0xb1: {  	[tilespmem:s28+$0xFFFFFFD0] =	vst v2;
	v2 =	vld [tilespmem:s28+$0xFFFFFFE0];
	v0 =	vadd.f32 v1, v0  }
0xb2: {  	v1 =	vadd.f32 v5, v7;
	v5 =	vld [tilespmem:s17+$0xFFFFFFE0]  }
0xb3: {  	[tilespmem:s28+$0x50] =	vst v0;
	v7 =	vld [tilespmem:s28+$0x60]  }
0xb4: {  	[tilespmem:s28+$0xFFFFFF50] =	vst v1;
	v8 =	vld [tilespmem:s17+$0x60];
	v0 =	vadd.f32 v4, v3  }
0xb5: {  	v3 =	vld [tilespmem:s17+$0xFFFFFF60]  }
0xb6: {  	[tilespmem:s28+$0xE0] =	vst v0;
	v9 =	vld [tilespmem:s28+$0xF0]  }
0xb7: {  	v1 =	vadd.f32 v5, v2;
	v5 =	vld [tilespmem:s17+$0xF0]  }
0xb8: {  	v0 =	vld [tilespmem:s28+$0xFFFFFF70]  }
.Ltmp0:
0xb9: {  	[tilespmem:s28+$0xFFFFFFE0] =	vst v1;
	v1 =	vld [tilespmem:s28+$0xFFFFFFF0];
	v2 =	vadd.f32 v8, v7;
	(pc) =	sbr.rel @p1 .LBB2_3-.Ltmp0, $4  }
0xba: {  	v4 =	vadd.f32 v3, v6;
	v3 =	vld [tilespmem:s17+$0xFFFFFFF0]  }
0xbb: {  	[tilespmem:s28+$0x60] =	vst v2;
	v2 =	vld [tilespmem:s28+$0x70]  }
0xbc: {  	[tilespmem:s28+$0xFFFFFF60] =	vst v4;
	v4 =	vld [tilespmem:s17+$0x70];
	v6 =	vadd.f32 v5, v9  }
0xbd: {  	s28 =	sadd.s32 $0x200, s28;
	v5 =	vld [tilespmem:s17+$0xFFFFFF70]  }
0xbe: {  	_ =	sdelay $0x1  }
0xbf: {  	v1 =	vadd.f32 v3, v1  }
0xc0: {  	[tilespmem:s16+$0xF0] =	vst v6;
	v2 =	vadd.f32 v4, v2  }
0xc1: {  	[tilespmem:s16+$0xFFFFFFF0] =	vst v1;
	v0 =	vadd.f32 v5, v0  }
0xc2: {  	[tilespmem:s16+$0x70] =	vst v2  }
0xc3: {  	[tilespmem:s16+$0xFFFFFF70] =	vst v0  }
0xc4: {  	_ =	swait.ge [sflag:s20], $0x50  }
0xc5: {  	[sflag:s20] =	ssyncset.done $0x0  }
0xc6: {  	s12 =	sadd.s32 s2, s15;
	[sflag:s20] =	ssyncadd.s32 $0xFFFFFFB0  }
0xc7: {  	[hbm4b:s12+s4] =	stream.linear.scatter [tilespmem:s19], [sflag:$0x5], $0x2800, $0x38;
	[tilespmem:$0x1DA80] =	vst v63  }
0xc8: {  	_ = 	snop  }
0xc9: {  	[spmem:s3] =	stream.indirect.scatter.add.f32 [tilespmem:s19], [sflag:$0x7], $0x80, s18, s21, $0xb8;
	[tilespmem:$0x1DA80] =	vst v63  }
0xca: {  	_ =	swait.ge [sflag:s26], $0x2800  }
0xcb: {  	[sflag:s26] =	ssyncset.done $0x0  }
0xcc: {  	[sflag:s26] =	ssyncadd.s32 $0xFFFFD800  }
0xcd: {  	_ =	swait.ge [sflag:s30], $0x2800  }
0xce: {  	[sflag:s30] =	ssyncset.done $0x0  }
0xcf: {  	s15 =	simm.s32 $0x2B00;
	[sflag:s30] =	ssyncadd.s32 $0xFFFFD800  }
0xd0: {  	s16 =	simm.s32 $0x7B00;
	v0 =	vld [tilespmem:s15+$0x80]  }
0xd1: {  	v1 =	vld [tilespmem:s16+$0x80]  }
0xd2: {  	v2 =	vld [tilespmem:s15+$0xFFFFFF80]  }
0xd3: {  	v3 =	vld [tilespmem:s16+$0xFFFFFF80]  }
0xd4: {  	v4 =	vld [tilespmem:s15+$0x0]  }
0xd5: {  	v5 =	vld [tilespmem:s16+$0x0]  }
0xd6: {  	v6 =	vld [tilespmem:s15+$0xFFFFFF00];
	v0 =	vadd.f32 v1, v0  }
0xd7: {  	v1 =	vld [tilespmem:s16+$0xFFFFFF00]  }
0xd8: {  	[tilespmem:s15+$0x80] =	vst v0;
	v0 =	vld [tilespmem:s15+$0x90]  }
0xd9: {  	v2 =	vadd.f32 v3, v2;
	v3 =	vld [tilespmem:s16+$0x90]  }
0xda: {  	v7 =	vld [tilespmem:s15+$0xFFFFFF10]  }
0xdb: {  	[tilespmem:s15+$0xFFFFFF80] =	vst v2;
	v2 =	vadd.f32 v5, v4;
	v4 =	vld [tilespmem:s15+$0xFFFFFF90]  }
0xdc: {  	v5 =	vld [tilespmem:s16+$0xFFFFFF90];
	v1 =	vadd.f32 v1, v6  }
0xdd: {  	[tilespmem:s15+$0x0] =	vst v2;
	v2 =	vld [tilespmem:s15+$0x10]  }
0xde: {  	v6 =	vld [tilespmem:s16+$0x10];
	[tilespmem:s15+$0xFFFFFF00] =	vst v1;
	v0 =	vadd.f32 v3, v0  }
0xdf: {  	v1 =	vld [tilespmem:s16+$0xFFFFFF10]  }
0xe0: {  	[tilespmem:s15+$0x90] =	vst v0;
	v0 =	vld [tilespmem:s15+$0xA0]  }
0xe1: {  	v3 =	vadd.f32 v5, v4;
	v4 =	vld [tilespmem:s16+$0xA0]  }
0xe2: {  	v5 =	vld [tilespmem:s15+$0xFFFFFF20]  }
0xe3: {  	[tilespmem:s15+$0xFFFFFF90] =	vst v3;
	v2 =	vadd.f32 v6, v2;
	v3 =	vld [tilespmem:s15+$0xFFFFFFA0]  }
0xe4: {  	v6 =	vld [tilespmem:s16+$0xFFFFFFA0];
	v1 =	vadd.f32 v1, v7  }
0xe5: {  	[tilespmem:s15+$0x10] =	vst v2;
	v2 =	vld [tilespmem:s15+$0x20]  }
0xe6: {  	v7 =	vld [tilespmem:s16+$0x20];
	[tilespmem:s15+$0xFFFFFF10] =	vst v1;
	v0 =	vadd.f32 v4, v0  }
0xe7: {  	v1 =	vld [tilespmem:s16+$0xFFFFFF20]  }
0xe8: {  	[tilespmem:s15+$0xA0] =	vst v0;
	v0 =	vld [tilespmem:s15+$0xB0]  }
0xe9: {  	v3 =	vadd.f32 v6, v3;
	v4 =	vld [tilespmem:s16+$0xB0]  }
0xea: {  	v6 =	vld [tilespmem:s15+$0xFFFFFF30]  }
0xeb: {  	[tilespmem:s15+$0xFFFFFFA0] =	vst v3;
	v2 =	vadd.f32 v7, v2;
	v3 =	vld [tilespmem:s15+$0xFFFFFFB0]  }
0xec: {  	v7 =	vld [tilespmem:s16+$0xFFFFFFB0];
	v1 =	vadd.f32 v1, v5  }
0xed: {  	[tilespmem:s15+$0x20] =	vst v2;
	v2 =	vld [tilespmem:s15+$0x30]  }
0xee: {  	v5 =	vld [tilespmem:s16+$0x30];
	[tilespmem:s15+$0xFFFFFF20] =	vst v1;
	v0 =	vadd.f32 v4, v0  }
0xef: {  	v1 =	vld [tilespmem:s16+$0xFFFFFF30]  }
0xf0: {  	[tilespmem:s15+$0xB0] =	vst v0;
	v0 =	vld [tilespmem:s15+$0xC0]  }
0xf1: {  	v3 =	vadd.f32 v7, v3;
	v4 =	vld [tilespmem:s16+$0xC0]  }
0xf2: {  	v7 =	vld [tilespmem:s15+$0xFFFFFF40]  }
0xf3: {  	[tilespmem:s15+$0xFFFFFFB0] =	vst v3;
	v2 =	vadd.f32 v5, v2;
	v3 =	vld [tilespmem:s15+$0xFFFFFFC0]  }
0xf4: {  	v5 =	vld [tilespmem:s16+$0xFFFFFFC0];
	v1 =	vadd.f32 v1, v6  }
0xf5: {  	[tilespmem:s15+$0x30] =	vst v2;
	v2 =	vld [tilespmem:s15+$0x40]  }
0xf6: {  	v6 =	vld [tilespmem:s16+$0x40];
	[tilespmem:s15+$0xFFFFFF30] =	vst v1;
	v0 =	vadd.f32 v4, v0  }
0xf7: {  	v1 =	vld [tilespmem:s16+$0xFFFFFF40]  }
0xf8: {  	[tilespmem:s15+$0xC0] =	vst v0;
	v0 =	vld [tilespmem:s15+$0xD0]  }
0xf9: {  	v3 =	vadd.f32 v5, v3;
	v4 =	vld [tilespmem:s16+$0xD0]  }
0xfa: {  	v5 =	vld [tilespmem:s15+$0xFFFFFF50]  }
0xfb: {  	[tilespmem:s15+$0xFFFFFFC0] =	vst v3;
	v2 =	vadd.f32 v6, v2;
	v3 =	vld [tilespmem:s15+$0xFFFFFFD0]  }
0xfc: {  	v6 =	vld [tilespmem:s16+$0xFFFFFFD0];
	v1 =	vadd.f32 v1, v7  }
0xfd: {  	[tilespmem:s15+$0x40] =	vst v2;
	v2 =	vld [tilespmem:s15+$0x50]  }
0xfe: {  	v7 =	vld [tilespmem:s16+$0x50];
	[tilespmem:s15+$0xFFFFFF40] =	vst v1;
	v0 =	vadd.f32 v4, v0  }
0xff: {  	v1 =	vld [tilespmem:s16+$0xFFFFFF50]  }
0x100: {  	[tilespmem:s15+$0xD0] =	vst v0;
	v0 =	vld [tilespmem:s15+$0xE0]  }
0x101: {  	v3 =	vadd.f32 v6, v3;
	v4 =	vld [tilespmem:s16+$0xE0]  }
0x102: {  	v6 =	vld [tilespmem:s15+$0xFFFFFF60]  }
0x103: {  	[tilespmem:s15+$0xFFFFFFD0] =	vst v3;
	v2 =	vadd.f32 v7, v2;
	v3 =	vld [tilespmem:s15+$0xFFFFFFE0]  }
0x104: {  	v7 =	vld [tilespmem:s16+$0xFFFFFFE0];
	v1 =	vadd.f32 v1, v5  }
0x105: {  	[tilespmem:s15+$0x50] =	vst v2;
	v2 =	vld [tilespmem:s15+$0x60]  }
0x106: {  	v5 =	vld [tilespmem:s16+$0x60];
	[tilespmem:s15+$0xFFFFFF50] =	vst v1;
	v0 =	vadd.f32 v4, v0  }
0x107: {  	v4 =	vld [tilespmem:s16+$0xFFFFFF60]  }
0x108: {  	v8 =	vld [tilespmem:s15+$0xF0];
	[tilespmem:s15+$0xE0] =	vst v0  }
0x109: {  	v1 =	vadd.f32 v7, v3;
	v7 =	vld [tilespmem:s16+$0xF0]  }
0x10a: {  	v0 =	vld [tilespmem:s15+$0xFFFFFF70]  }
0x10b: {  	[tilespmem:s15+$0xFFFFFFE0] =	vst v1;
	v2 =	vadd.f32 v5, v2;
	v1 =	vld [tilespmem:s15+$0xFFFFFFF0]  }
0x10c: {  	v3 =	vld [tilespmem:s16+$0xFFFFFFF0];
	v4 =	vadd.f32 v4, v6  }
0x10d: {  	[tilespmem:s15+$0x60] =	vst v2;
	v2 =	vld [tilespmem:s15+$0x70]  }
0x10e: {  	[tilespmem:s15+$0xFFFFFF60] =	vst v4;
	v4 =	vld [tilespmem:s16+$0x70];
	v6 =	vadd.f32 v7, v8  }
0x10f: {  	s17 =	simm.s32 $0x2D00;
	s12 =	simm.s32 $0x0;
	v5 =	vld [tilespmem:s16+$0xFFFFFF70]  }
.LBB2_5:
0x110: {  	v7 =	vld [tilespmem:s17+$0x80];
	[tilespmem:s15+$0xF0] =	vst v6;
	s16 =	sadd.s32 $0x200, s16  }
0x111: {  	s12 =	sadd.s32 $0x4, s12;
	v6 =	vld [tilespmem:s16+$0x80];
	v1 =	vadd.f32 v3, v1  }
0x112: {  	p1 =	slt.u32 s12, $0x4C;
	v3 =	vld [tilespmem:s16+$0xFFFFFF00]  }
0x113: {  	v8 =	vld [tilespmem:s17+$0xFFFFFF80];
	[tilespmem:s15+$0xFFFFFFF0] =	vst v1;
	v1 =	vadd.f32 v4, v2  }
0x114: {  	v2 =	vld [tilespmem:s16+$0xFFFFFF80];
	v0 =	vadd.f32 v5, v0  }
0x115: {  	v4 =	vld [tilespmem:s17+$0x0];
	[tilespmem:s15+$0x70] =	vst v1  }
0x116: {  	v1 =	vld [tilespmem:s16+$0x0];
	v5 =	vadd.f32 v6, v7;
	[tilespmem:s15+$0xFFFFFF70] =	vst v0;
	s15 =	smov.u32 s17  }
0x117: {  	v0 =	vld [tilespmem:s17+$0xFFFFFF00]  }
0x118: {  	[tilespmem:s17+$0x80] =	vst v5;
	v5 =	vld [tilespmem:s17+$0x90]  }
0x119: {  	v2 =	vadd.f32 v2, v8;
	v6 =	vld [tilespmem:s16+$0x90]  }
0x11a: {  	v7 =	vld [tilespmem:s17+$0xFFFFFF10]  }
0x11b: {  	[tilespmem:s17+$0xFFFFFF80] =	vst v2;
	v2 =	vld [tilespmem:s17+$0xFFFFFF90];
	v1 =	vadd.f32 v1, v4  }
0x11c: {  	v0 =	vadd.f32 v3, v0;
	v3 =	vld [tilespmem:s16+$0xFFFFFF90]  }
0x11d: {  	[tilespmem:s17+$0x0] =	vst v1;
	v1 =	vld [tilespmem:s17+$0x10]  }
0x11e: {  	[tilespmem:s17+$0xFFFFFF00] =	vst v0;
	v0 =	vld [tilespmem:s16+$0x10];
	v4 =	vadd.f32 v6, v5  }
0x11f: {  	v5 =	vld [tilespmem:s16+$0xFFFFFF10]  }
0x120: {  	[tilespmem:s17+$0x90] =	vst v4;
	v4 =	vld [tilespmem:s17+$0xA0]  }
0x121: {  	v2 =	vadd.f32 v3, v2;
	v3 =	vld [tilespmem:s16+$0xA0]  }
0x122: {  	v6 =	vld [tilespmem:s17+$0xFFFFFF20]  }
0x123: {  	[tilespmem:s17+$0xFFFFFF90] =	vst v2;
	v2 =	vld [tilespmem:s17+$0xFFFFFFA0];
	v0 =	vadd.f32 v0, v1  }
0x124: {  	v1 =	vadd.f32 v5, v7;
	v5 =	vld [tilespmem:s16+$0xFFFFFFA0]  }
0x125: {  	[tilespmem:s17+$0x10] =	vst v0;
	v0 =	vld [tilespmem:s17+$0x20]  }
0x126: {  	[tilespmem:s17+$0xFFFFFF10] =	vst v1;
	v1 =	vld [tilespmem:s16+$0x20];
	v3 =	vadd.f32 v3, v4  }
0x127: {  	v4 =	vld [tilespmem:s16+$0xFFFFFF20]  }
0x128: {  	[tilespmem:s17+$0xA0] =	vst v3;
	v3 =	vld [tilespmem:s17+$0xB0]  }
0x129: {  	v2 =	vadd.f32 v5, v2;
	v5 =	vld [tilespmem:s16+$0xB0]  }
0x12a: {  	v7 =	vld [tilespmem:s17+$0xFFFFFF30]  }
0x12b: {  	[tilespmem:s17+$0xFFFFFFA0] =	vst v2;
	v2 =	vld [tilespmem:s17+$0xFFFFFFB0];
	v0 =	vadd.f32 v1, v0  }
0x12c: {  	v1 =	vadd.f32 v4, v6;
	v4 =	vld [tilespmem:s16+$0xFFFFFFB0]  }
0x12d: {  	[tilespmem:s17+$0x20] =	vst v0;
	v0 =	vld [tilespmem:s17+$0x30]  }
0x12e: {  	[tilespmem:s17+$0xFFFFFF20] =	vst v1;
	v1 =	vld [tilespmem:s16+$0x30];
	v3 =	vadd.f32 v5, v3  }
0x12f: {  	v5 =	vld [tilespmem:s16+$0xFFFFFF30]  }
0x130: {  	[tilespmem:s17+$0xB0] =	vst v3;
	v3 =	vld [tilespmem:s17+$0xC0]  }
0x131: {  	v2 =	vadd.f32 v4, v2;
	v4 =	vld [tilespmem:s16+$0xC0]  }
0x132: {  	v6 =	vld [tilespmem:s17+$0xFFFFFF40]  }
0x133: {  	[tilespmem:s17+$0xFFFFFFB0] =	vst v2;
	v2 =	vld [tilespmem:s17+$0xFFFFFFC0];
	v0 =	vadd.f32 v1, v0  }
0x134: {  	v1 =	vadd.f32 v5, v7;
	v5 =	vld [tilespmem:s16+$0xFFFFFFC0]  }
0x135: {  	[tilespmem:s17+$0x30] =	vst v0;
	v0 =	vld [tilespmem:s17+$0x40]  }
0x136: {  	[tilespmem:s17+$0xFFFFFF30] =	vst v1;
	v1 =	vld [tilespmem:s16+$0x40];
	v3 =	vadd.f32 v4, v3  }
0x137: {  	v4 =	vld [tilespmem:s16+$0xFFFFFF40]  }
0x138: {  	[tilespmem:s17+$0xC0] =	vst v3;
	v3 =	vld [tilespmem:s17+$0xD0]  }
0x139: {  	v2 =	vadd.f32 v5, v2;
	v5 =	vld [tilespmem:s16+$0xD0]  }
0x13a: {  	v7 =	vld [tilespmem:s17+$0xFFFFFF50]  }
0x13b: {  	[tilespmem:s17+$0xFFFFFFC0] =	vst v2;
	v2 =	vld [tilespmem:s17+$0xFFFFFFD0];
	v0 =	vadd.f32 v1, v0  }
0x13c: {  	v1 =	vadd.f32 v4, v6;
	v4 =	vld [tilespmem:s16+$0xFFFFFFD0]  }
0x13d: {  	[tilespmem:s17+$0x40] =	vst v0;
	v0 =	vld [tilespmem:s17+$0x50]  }
0x13e: {  	[tilespmem:s17+$0xFFFFFF40] =	vst v1;
	v1 =	vld [tilespmem:s16+$0x50];
	v3 =	vadd.f32 v5, v3  }
0x13f: {  	v5 =	vld [tilespmem:s16+$0xFFFFFF50]  }
0x140: {  	[tilespmem:s17+$0xD0] =	vst v3;
	v3 =	vld [tilespmem:s17+$0xE0]  }
0x141: {  	v2 =	vadd.f32 v4, v2;
	v4 =	vld [tilespmem:s16+$0xE0]  }
0x142: {  	v6 =	vld [tilespmem:s17+$0xFFFFFF60]  }
0x143: {  	[tilespmem:s17+$0xFFFFFFD0] =	vst v2;
	v2 =	vld [tilespmem:s17+$0xFFFFFFE0];
	v0 =	vadd.f32 v1, v0  }
0x144: {  	v1 =	vadd.f32 v5, v7;
	v5 =	vld [tilespmem:s16+$0xFFFFFFE0]  }
0x145: {  	[tilespmem:s17+$0x50] =	vst v0;
	v7 =	vld [tilespmem:s17+$0x60]  }
0x146: {  	[tilespmem:s17+$0xFFFFFF50] =	vst v1;
	v8 =	vld [tilespmem:s16+$0x60];
	v0 =	vadd.f32 v4, v3  }
0x147: {  	v3 =	vld [tilespmem:s16+$0xFFFFFF60]  }
0x148: {  	[tilespmem:s17+$0xE0] =	vst v0;
	v9 =	vld [tilespmem:s17+$0xF0]  }
0x149: {  	v1 =	vadd.f32 v5, v2;
	v5 =	vld [tilespmem:s16+$0xF0]  }
0x14a: {  	v0 =	vld [tilespmem:s17+$0xFFFFFF70]  }
.Ltmp1:
0x14b: {  	[tilespmem:s17+$0xFFFFFFE0] =	vst v1;
	v1 =	vld [tilespmem:s17+$0xFFFFFFF0];
	v2 =	vadd.f32 v8, v7;
	(pc) =	sbr.rel @p1 .LBB2_5-.Ltmp1, $4  }
0x14c: {  	v4 =	vadd.f32 v3, v6;
	v3 =	vld [tilespmem:s16+$0xFFFFFFF0]  }
0x14d: {  	[tilespmem:s17+$0x60] =	vst v2;
	v2 =	vld [tilespmem:s17+$0x70]  }
0x14e: {  	[tilespmem:s17+$0xFFFFFF60] =	vst v4;
	v4 =	vld [tilespmem:s16+$0x70];
	v6 =	vadd.f32 v5, v9  }
0x14f: {  	s17 =	sadd.s32 $0x200, s17;
	v5 =	vld [tilespmem:s16+$0xFFFFFF70]  }
0x150: {  	_ =	sdelay $0x1  }
0x151: {  	v1 =	vadd.f32 v3, v1  }
0x152: {  	[tilespmem:s15+$0xF0] =	vst v6;
	v2 =	vadd.f32 v4, v2  }
0x153: {  	[tilespmem:s15+$0xFFFFFFF0] =	vst v1;
	v0 =	vadd.f32 v5, v0  }
0x154: {  	[tilespmem:s15+$0x70] =	vst v2  }
0x155: {  	[tilespmem:s15+$0xFFFFFF70] =	vst v0  }
0x156: {  	_ =	swait.ge [sflag:s26], $0x50  }
0x157: {  	[sflag:s26] =	ssyncset.done $0x0  }
0x158: {  	s12 =	sadd.s32 s2, s14;
	[sflag:s26] =	ssyncadd.s32 $0xFFFFFFB0  }
0x159: {  	[hbm4b:s12+s4] =	stream.linear.scatter [tilespmem:s25], [sflag:$0x6], $0x2800, $0x38;
	[tilespmem:$0x1DA80] =	vst v63  }
0x15a: {  	_ = 	snop  }
0x15b: {  	[spmem:s3] =	stream.indirect.scatter.add.f32 [tilespmem:s25], [sflag:$0x8], $0x80, s24, s21, $0xb8;
	[tilespmem:$0x1DA80] =	vst v63  }
0x15c: {  	_ =	swait.ge [sflag:s31], $0x2800  }
0x15d: {  	[sflag:s31] =	ssyncset.done $0x0  }
0x15e: {  	[sflag:s31] =	ssyncadd.s32 $0xFFFFD800  }
0x15f: {  	_ =	swait.ge [sflag:s0], $0x2800  }
0x160: {  	[sflag:s0] =	ssyncset.done $0x0  }
0x161: {  	s13 =	sadd.s32 $0x1, s13;
	[sflag:s0] =	ssyncadd.s32 $0xFFFFD800  }
0x162: {  	p1 =	sne.s32 s13, $0x3E;
	_ =	swait.ge [sflag:s9], $0x2800  }
.Ltmp2:
0x163: {  	[sflag:s9] =	ssyncset.done $0x0;
	(pc) =	sbr.rel @p1 .LBB2_2-.Ltmp2, $4  }
0x164: {  	[sflag:s9] =	ssyncadd.s32 $0xFFFFD800  }
0x165: {  	_ =	swait.ge [sflag:s11], $0x2800  }
0x166: {  	[sflag:s11] =	ssyncset.done $0x0  }
0x167: {  	[sflag:s11] =	ssyncadd.s32 $0xFFFFD800  }
0x168: {  	s12 =	rddreg [dreg:$0x6]  }
0x169: {  	[tilespmem:s4], [sflag:$0x1] =	stream.linear.gather [hbm4b:s12+s4], $0x50, $0x38;
	[tilespmem:$0x1DA80] =	vst v63  }
0x16a: {  	s17 =	rddreg [dreg:$0x7]  }
0x16b: {  	[tilespmem:s18], [sflag:$0x1] =	stream.linear.gather [hbm4b:s17+s4], $0x50, $0x38;
	[tilespmem:$0x1DA80] =	vst v63  }
0x16c: {  	s28 =	rddreg [dreg:$0x8]  }
0x16d: {  	[tilespmem:s19], [sflag:$0x1] =	stream.linear.gather [hbm4b:s28+s4], $0x2800, $0x38;
	[tilespmem:$0x1DA80] =	vst v63  }
0x16e: {  	_ =	swait.ge [sflag:s20], $0x50  }
0x16f: {  	[sflag:s20] =	ssyncset.done $0x0  }
0x170: {  	[sflag:s20] =	ssyncadd.s32 $0xFFFFFFB0  }
0x171: {  	[tilespmem:s22], [sflag:$0x3] =	stream.indirect.gather [hbm4b:s1+s21], $0x80, s4, s21, $0xb8;
	[tilespmem:$0x1DA80] =	vst v63  }
0x172: {  	_ =	swait.ge [sflag:s20], $0x2800  }
0x173: {  	[sflag:s20] =	ssyncset.done $0x0  }
0x174: {  	[sflag:s20] =	ssyncadd.s32 $0xFFFFD800  }
0x175: {  	_ =	swait.ge [sflag:s29], $0x2800  }
0x176: {  	[sflag:s29] =	ssyncset.done $0x0  }
0x177: {  	s13 =	simm.s32 $0x300;
	[sflag:s29] =	ssyncadd.s32 $0xFFFFD800  }
0x178: {  	s14 =	simm.s32 $0x5300;
	v0 =	vld [tilespmem:s13+$0x80]  }
0x179: {  	v1 =	vld [tilespmem:s14+$0x80]  }
0x17a: {  	v2 =	vld [tilespmem:s13+$0xFFFFFF80]  }
0x17b: {  	v3 =	vld [tilespmem:s14+$0xFFFFFF80]  }
0x17c: {  	v4 =	vld [tilespmem:s13+$0x0]  }
0x17d: {  	v5 =	vld [tilespmem:s14+$0x0]  }
0x17e: {  	v6 =	vld [tilespmem:s13+$0xFFFFFF00];
	v0 =	vadd.f32 v1, v0  }
0x17f: {  	v1 =	vld [tilespmem:s14+$0xFFFFFF00]  }
0x180: {  	[tilespmem:s13+$0x80] =	vst v0;
	v0 =	vld [tilespmem:s13+$0x90]  }
0x181: {  	v2 =	vadd.f32 v3, v2;
	v3 =	vld [tilespmem:s14+$0x90]  }
0x182: {  	v7 =	vld [tilespmem:s13+$0xFFFFFF10]  }
0x183: {  	[tilespmem:s13+$0xFFFFFF80] =	vst v2;
	v2 =	vadd.f32 v5, v4;
	v4 =	vld [tilespmem:s13+$0xFFFFFF90]  }
0x184: {  	v5 =	vld [tilespmem:s14+$0xFFFFFF90];
	v1 =	vadd.f32 v1, v6  }
0x185: {  	[tilespmem:s13+$0x0] =	vst v2;
	v2 =	vld [tilespmem:s13+$0x10]  }
0x186: {  	v6 =	vld [tilespmem:s14+$0x10];
	[tilespmem:s13+$0xFFFFFF00] =	vst v1;
	v0 =	vadd.f32 v3, v0  }
0x187: {  	v1 =	vld [tilespmem:s14+$0xFFFFFF10]  }
0x188: {  	[tilespmem:s13+$0x90] =	vst v0;
	v0 =	vld [tilespmem:s13+$0xA0]  }
0x189: {  	v3 =	vadd.f32 v5, v4;
	v4 =	vld [tilespmem:s14+$0xA0]  }
0x18a: {  	v5 =	vld [tilespmem:s13+$0xFFFFFF20]  }
0x18b: {  	[tilespmem:s13+$0xFFFFFF90] =	vst v3;
	v2 =	vadd.f32 v6, v2;
	v3 =	vld [tilespmem:s13+$0xFFFFFFA0]  }
0x18c: {  	v6 =	vld [tilespmem:s14+$0xFFFFFFA0];
	v1 =	vadd.f32 v1, v7  }
0x18d: {  	[tilespmem:s13+$0x10] =	vst v2;
	v2 =	vld [tilespmem:s13+$0x20]  }
0x18e: {  	v7 =	vld [tilespmem:s14+$0x20];
	[tilespmem:s13+$0xFFFFFF10] =	vst v1;
	v0 =	vadd.f32 v4, v0  }
0x18f: {  	v1 =	vld [tilespmem:s14+$0xFFFFFF20]  }
0x190: {  	[tilespmem:s13+$0xA0] =	vst v0;
	v0 =	vld [tilespmem:s13+$0xB0]  }
0x191: {  	v3 =	vadd.f32 v6, v3;
	v4 =	vld [tilespmem:s14+$0xB0]  }
0x192: {  	v6 =	vld [tilespmem:s13+$0xFFFFFF30]  }
0x193: {  	[tilespmem:s13+$0xFFFFFFA0] =	vst v3;
	v2 =	vadd.f32 v7, v2;
	v3 =	vld [tilespmem:s13+$0xFFFFFFB0]  }
0x194: {  	v7 =	vld [tilespmem:s14+$0xFFFFFFB0];
	v1 =	vadd.f32 v1, v5  }
0x195: {  	[tilespmem:s13+$0x20] =	vst v2;
	v2 =	vld [tilespmem:s13+$0x30]  }
0x196: {  	v5 =	vld [tilespmem:s14+$0x30];
	[tilespmem:s13+$0xFFFFFF20] =	vst v1;
	v0 =	vadd.f32 v4, v0  }
0x197: {  	v1 =	vld [tilespmem:s14+$0xFFFFFF30]  }
0x198: {  	[tilespmem:s13+$0xB0] =	vst v0;
	v0 =	vld [tilespmem:s13+$0xC0]  }
0x199: {  	v3 =	vadd.f32 v7, v3;
	v4 =	vld [tilespmem:s14+$0xC0]  }
0x19a: {  	v7 =	vld [tilespmem:s13+$0xFFFFFF40]  }
0x19b: {  	[tilespmem:s13+$0xFFFFFFB0] =	vst v3;
	v2 =	vadd.f32 v5, v2;
	v3 =	vld [tilespmem:s13+$0xFFFFFFC0]  }
0x19c: {  	v5 =	vld [tilespmem:s14+$0xFFFFFFC0];
	v1 =	vadd.f32 v1, v6  }
0x19d: {  	[tilespmem:s13+$0x30] =	vst v2;
	v2 =	vld [tilespmem:s13+$0x40]  }
0x19e: {  	v6 =	vld [tilespmem:s14+$0x40];
	[tilespmem:s13+$0xFFFFFF30] =	vst v1;
	v0 =	vadd.f32 v4, v0  }
0x19f: {  	v1 =	vld [tilespmem:s14+$0xFFFFFF40]  }
0x1a0: {  	[tilespmem:s13+$0xC0] =	vst v0;
	v0 =	vld [tilespmem:s13+$0xD0]  }
0x1a1: {  	v3 =	vadd.f32 v5, v3;
	v4 =	vld [tilespmem:s14+$0xD0]  }
0x1a2: {  	v5 =	vld [tilespmem:s13+$0xFFFFFF50]  }
0x1a3: {  	[tilespmem:s13+$0xFFFFFFC0] =	vst v3;
	v2 =	vadd.f32 v6, v2;
	v3 =	vld [tilespmem:s13+$0xFFFFFFD0]  }
0x1a4: {  	v6 =	vld [tilespmem:s14+$0xFFFFFFD0];
	v1 =	vadd.f32 v1, v7  }
0x1a5: {  	[tilespmem:s13+$0x40] =	vst v2;
	v2 =	vld [tilespmem:s13+$0x50]  }
0x1a6: {  	v7 =	vld [tilespmem:s14+$0x50];
	[tilespmem:s13+$0xFFFFFF40] =	vst v1;
	v0 =	vadd.f32 v4, v0  }
0x1a7: {  	v1 =	vld [tilespmem:s14+$0xFFFFFF50]  }
0x1a8: {  	[tilespmem:s13+$0xD0] =	vst v0;
	v0 =	vld [tilespmem:s13+$0xE0]  }
0x1a9: {  	v3 =	vadd.f32 v6, v3;
	v4 =	vld [tilespmem:s14+$0xE0]  }
0x1aa: {  	v6 =	vld [tilespmem:s13+$0xFFFFFF60]  }
0x1ab: {  	[tilespmem:s13+$0xFFFFFFD0] =	vst v3;
	v2 =	vadd.f32 v7, v2;
	v3 =	vld [tilespmem:s13+$0xFFFFFFE0]  }
0x1ac: {  	v7 =	vld [tilespmem:s14+$0xFFFFFFE0];
	v1 =	vadd.f32 v1, v5  }
0x1ad: {  	[tilespmem:s13+$0x50] =	vst v2;
	v2 =	vld [tilespmem:s13+$0x60]  }
0x1ae: {  	v5 =	vld [tilespmem:s14+$0x60];
	[tilespmem:s13+$0xFFFFFF50] =	vst v1;
	v0 =	vadd.f32 v4, v0  }
0x1af: {  	v4 =	vld [tilespmem:s14+$0xFFFFFF60]  }
0x1b0: {  	v8 =	vld [tilespmem:s13+$0xF0];
	[tilespmem:s13+$0xE0] =	vst v0  }
0x1b1: {  	v1 =	vadd.f32 v7, v3;
	v7 =	vld [tilespmem:s14+$0xF0]  }
0x1b2: {  	v0 =	vld [tilespmem:s13+$0xFFFFFF70]  }
0x1b3: {  	[tilespmem:s13+$0xFFFFFFE0] =	vst v1;
	v2 =	vadd.f32 v5, v2;
	v1 =	vld [tilespmem:s13+$0xFFFFFFF0]  }
0x1b4: {  	v3 =	vld [tilespmem:s14+$0xFFFFFFF0];
	v4 =	vadd.f32 v4, v6  }
0x1b5: {  	[tilespmem:s13+$0x60] =	vst v2;
	v2 =	vld [tilespmem:s13+$0x70]  }
0x1b6: {  	[tilespmem:s13+$0xFFFFFF60] =	vst v4;
	v4 =	vld [tilespmem:s14+$0x70];
	v6 =	vadd.f32 v7, v8  }
0x1b7: {  	s15 =	simm.s32 $0x500;
	s12 =	simm.s32 $0x0;
	v5 =	vld [tilespmem:s14+$0xFFFFFF70]  }
.LBB2_8:
0x1b8: {  	v7 =	vld [tilespmem:s15+$0x80];
	[tilespmem:s13+$0xF0] =	vst v6;
	s14 =	sadd.s32 $0x200, s14  }
0x1b9: {  	s12 =	sadd.s32 $0x4, s12;
	v6 =	vld [tilespmem:s14+$0x80];
	v1 =	vadd.f32 v3, v1  }
0x1ba: {  	p1 =	slt.u32 s12, $0x4C;
	v3 =	vld [tilespmem:s14+$0xFFFFFF00]  }
0x1bb: {  	v8 =	vld [tilespmem:s15+$0xFFFFFF80];
	[tilespmem:s13+$0xFFFFFFF0] =	vst v1;
	v1 =	vadd.f32 v4, v2  }
0x1bc: {  	v2 =	vld [tilespmem:s14+$0xFFFFFF80];
	v0 =	vadd.f32 v5, v0  }
0x1bd: {  	v4 =	vld [tilespmem:s15+$0x0];
	[tilespmem:s13+$0x70] =	vst v1  }
0x1be: {  	v1 =	vld [tilespmem:s14+$0x0];
	v5 =	vadd.f32 v6, v7;
	[tilespmem:s13+$0xFFFFFF70] =	vst v0;
	s13 =	smov.u32 s15  }
0x1bf: {  	v0 =	vld [tilespmem:s15+$0xFFFFFF00]  }
0x1c0: {  	[tilespmem:s15+$0x80] =	vst v5;
	v5 =	vld [tilespmem:s15+$0x90]  }
0x1c1: {  	v2 =	vadd.f32 v2, v8;
	v6 =	vld [tilespmem:s14+$0x90]  }
0x1c2: {  	v7 =	vld [tilespmem:s15+$0xFFFFFF10]  }
0x1c3: {  	[tilespmem:s15+$0xFFFFFF80] =	vst v2;
	v2 =	vld [tilespmem:s15+$0xFFFFFF90];
	v1 =	vadd.f32 v1, v4  }
0x1c4: {  	v0 =	vadd.f32 v3, v0;
	v3 =	vld [tilespmem:s14+$0xFFFFFF90]  }
0x1c5: {  	[tilespmem:s15+$0x0] =	vst v1;
	v1 =	vld [tilespmem:s15+$0x10]  }
0x1c6: {  	[tilespmem:s15+$0xFFFFFF00] =	vst v0;
	v0 =	vld [tilespmem:s14+$0x10];
	v4 =	vadd.f32 v6, v5  }
0x1c7: {  	v5 =	vld [tilespmem:s14+$0xFFFFFF10]  }
0x1c8: {  	[tilespmem:s15+$0x90] =	vst v4;
	v4 =	vld [tilespmem:s15+$0xA0]  }
0x1c9: {  	v2 =	vadd.f32 v3, v2;
	v3 =	vld [tilespmem:s14+$0xA0]  }
0x1ca: {  	v6 =	vld [tilespmem:s15+$0xFFFFFF20]  }
0x1cb: {  	[tilespmem:s15+$0xFFFFFF90] =	vst v2;
	v2 =	vld [tilespmem:s15+$0xFFFFFFA0];
	v0 =	vadd.f32 v0, v1  }
0x1cc: {  	v1 =	vadd.f32 v5, v7;
	v5 =	vld [tilespmem:s14+$0xFFFFFFA0]  }
0x1cd: {  	[tilespmem:s15+$0x10] =	vst v0;
	v0 =	vld [tilespmem:s15+$0x20]  }
0x1ce: {  	[tilespmem:s15+$0xFFFFFF10] =	vst v1;
	v1 =	vld [tilespmem:s14+$0x20];
	v3 =	vadd.f32 v3, v4  }
0x1cf: {  	v4 =	vld [tilespmem:s14+$0xFFFFFF20]  }
0x1d0: {  	[tilespmem:s15+$0xA0] =	vst v3;
	v3 =	vld [tilespmem:s15+$0xB0]  }
0x1d1: {  	v2 =	vadd.f32 v5, v2;
	v5 =	vld [tilespmem:s14+$0xB0]  }
0x1d2: {  	v7 =	vld [tilespmem:s15+$0xFFFFFF30]  }
0x1d3: {  	[tilespmem:s15+$0xFFFFFFA0] =	vst v2;
	v2 =	vld [tilespmem:s15+$0xFFFFFFB0];
	v0 =	vadd.f32 v1, v0  }
0x1d4: {  	v1 =	vadd.f32 v4, v6;
	v4 =	vld [tilespmem:s14+$0xFFFFFFB0]  }
0x1d5: {  	[tilespmem:s15+$0x20] =	vst v0;
	v0 =	vld [tilespmem:s15+$0x30]  }
0x1d6: {  	[tilespmem:s15+$0xFFFFFF20] =	vst v1;
	v1 =	vld [tilespmem:s14+$0x30];
	v3 =	vadd.f32 v5, v3  }
0x1d7: {  	v5 =	vld [tilespmem:s14+$0xFFFFFF30]  }
0x1d8: {  	[tilespmem:s15+$0xB0] =	vst v3;
	v3 =	vld [tilespmem:s15+$0xC0]  }
0x1d9: {  	v2 =	vadd.f32 v4, v2;
	v4 =	vld [tilespmem:s14+$0xC0]  }
0x1da: {  	v6 =	vld [tilespmem:s15+$0xFFFFFF40]  }
0x1db: {  	[tilespmem:s15+$0xFFFFFFB0] =	vst v2;
	v2 =	vld [tilespmem:s15+$0xFFFFFFC0];
	v0 =	vadd.f32 v1, v0  }
0x1dc: {  	v1 =	vadd.f32 v5, v7;
	v5 =	vld [tilespmem:s14+$0xFFFFFFC0]  }
0x1dd: {  	[tilespmem:s15+$0x30] =	vst v0;
	v0 =	vld [tilespmem:s15+$0x40]  }
0x1de: {  	[tilespmem:s15+$0xFFFFFF30] =	vst v1;
	v1 =	vld [tilespmem:s14+$0x40];
	v3 =	vadd.f32 v4, v3  }
0x1df: {  	v4 =	vld [tilespmem:s14+$0xFFFFFF40]  }
0x1e0: {  	[tilespmem:s15+$0xC0] =	vst v3;
	v3 =	vld [tilespmem:s15+$0xD0]  }
0x1e1: {  	v2 =	vadd.f32 v5, v2;
	v5 =	vld [tilespmem:s14+$0xD0]  }
0x1e2: {  	v7 =	vld [tilespmem:s15+$0xFFFFFF50]  }
0x1e3: {  	[tilespmem:s15+$0xFFFFFFC0] =	vst v2;
	v2 =	vld [tilespmem:s15+$0xFFFFFFD0];
	v0 =	vadd.f32 v1, v0  }
0x1e4: {  	v1 =	vadd.f32 v4, v6;
	v4 =	vld [tilespmem:s14+$0xFFFFFFD0]  }
0x1e5: {  	[tilespmem:s15+$0x40] =	vst v0;
	v0 =	vld [tilespmem:s15+$0x50]  }
0x1e6: {  	[tilespmem:s15+$0xFFFFFF40] =	vst v1;
	v1 =	vld [tilespmem:s14+$0x50];
	v3 =	vadd.f32 v5, v3  }
0x1e7: {  	v5 =	vld [tilespmem:s14+$0xFFFFFF50]  }
0x1e8: {  	[tilespmem:s15+$0xD0] =	vst v3;
	v3 =	vld [tilespmem:s15+$0xE0]  }
0x1e9: {  	v2 =	vadd.f32 v4, v2;
	v4 =	vld [tilespmem:s14+$0xE0]  }
0x1ea: {  	v6 =	vld [tilespmem:s15+$0xFFFFFF60]  }
0x1eb: {  	[tilespmem:s15+$0xFFFFFFD0] =	vst v2;
	v2 =	vld [tilespmem:s15+$0xFFFFFFE0];
	v0 =	vadd.f32 v1, v0  }
0x1ec: {  	v1 =	vadd.f32 v5, v7;
	v5 =	vld [tilespmem:s14+$0xFFFFFFE0]  }
0x1ed: {  	[tilespmem:s15+$0x50] =	vst v0;
	v7 =	vld [tilespmem:s15+$0x60]  }
0x1ee: {  	[tilespmem:s15+$0xFFFFFF50] =	vst v1;
	v8 =	vld [tilespmem:s14+$0x60];
	v0 =	vadd.f32 v4, v3  }
0x1ef: {  	v3 =	vld [tilespmem:s14+$0xFFFFFF60]  }
0x1f0: {  	[tilespmem:s15+$0xE0] =	vst v0;
	v9 =	vld [tilespmem:s15+$0xF0]  }
0x1f1: {  	v1 =	vadd.f32 v5, v2;
	v5 =	vld [tilespmem:s14+$0xF0]  }
0x1f2: {  	v0 =	vld [tilespmem:s15+$0xFFFFFF70]  }
.Ltmp3:
0x1f3: {  	[tilespmem:s15+$0xFFFFFFE0] =	vst v1;
	v1 =	vld [tilespmem:s15+$0xFFFFFFF0];
	v2 =	vadd.f32 v8, v7;
	(pc) =	sbr.rel @p1 .LBB2_8-.Ltmp3, $4  }
0x1f4: {  	v4 =	vadd.f32 v3, v6;
	v3 =	vld [tilespmem:s14+$0xFFFFFFF0]  }
0x1f5: {  	[tilespmem:s15+$0x60] =	vst v2;
	v2 =	vld [tilespmem:s15+$0x70]  }
0x1f6: {  	[tilespmem:s15+$0xFFFFFF60] =	vst v4;
	v4 =	vld [tilespmem:s14+$0x70];
	v6 =	vadd.f32 v5, v9  }
0x1f7: {  	s15 =	sadd.s32 $0x200, s15;
	v5 =	vld [tilespmem:s14+$0xFFFFFF70]  }
0x1f8: {  	_ =	sdelay $0x1  }
0x1f9: {  	v1 =	vadd.f32 v3, v1  }
0x1fa: {  	[tilespmem:s13+$0xF0] =	vst v6;
	v2 =	vadd.f32 v4, v2  }
0x1fb: {  	[tilespmem:s13+$0xFFFFFFF0] =	vst v1;
	v0 =	vadd.f32 v5, v0  }
0x1fc: {  	[tilespmem:s13+$0x70] =	vst v2  }
0x1fd: {  	[tilespmem:s13+$0xFFFFFF70] =	vst v0  }
0x1fe: {  	_ =	swait.ge [sflag:s20], $0x50  }
0x1ff: {  	[sflag:s20] =	ssyncset.done $0x0  }
0x200: {  	s12 =	rddreg [dreg:$0x9];
	[sflag:s20] =	ssyncadd.s32 $0xFFFFFFB0  }
0x201: {  	[hbm4b:s12+s4] =	stream.linear.scatter [tilespmem:s19], [sflag:$0x5], $0x2800, $0x38;
	[tilespmem:$0x1DA80] =	vst v63  }
0x202: {  	_ = 	snop  }
0x203: {  	[spmem:s3] =	stream.indirect.scatter.add.f32 [tilespmem:s19], [sflag:$0x7], $0x80, s18, s21, $0xb8;
	[tilespmem:$0x1DA80] =	vst v63  }
0x204: {  	_ =	swait.ge [sflag:s31], $0x2800  }
0x205: {  	[sflag:s31] =	ssyncset.done $0x0  }
0x206: {  	[sflag:s31] =	ssyncadd.s32 $0xFFFFD800  }
0x207: {  	_ =	swait.ge [sflag:s0], $0x2800  }
0x208: {  	[sflag:s0] =	ssyncset.done $0x0  }
0x209: {  	[sflag:s0] =	ssyncadd.s32 $0xFFFFD800  }
0x20a: {  	[bflag:$0x0] =	sbarrier.arrive $0xFFFF  }
0x20b: {  	s13 =	rddreg [dreg:$0xa]  }
0x20c: {  	s12 =	simm.s32 @!p0 $0x1C09;
	s14 =	rddreg [dreg:$0xc]  }
0x20d: {  	[hbm:s13], [sflag:s12] =	dma.local @!p0 [spmem:s14], $0x27100  }
0x20e: {  	s12 =	simm.s32 @!p0 $0x9  }
0x20f: {  	_ =	swait.ge @!p0 [sflag:s12], $0x27100  }
0x210: {  	s15 =	rddreg [dreg:$0xd]  }
0x211: {  	s28 =	rddreg [dreg:$0xb];
	s15 =	sadd.s32 $0x1, s15  }
0x212: {  	p1 =	sne.s32 s15, s28  }
.Ltmp4:
0x213: {  	_ = 	snop;
	(pc) =	sbr.rel @p1 .LBB2_1-.Ltmp4, $3  }
0x214: {  	_ =	sdelay $0x1  }
0x215: {  	[sflag:s12] =	ssyncset.done @!p0 $0x0  }
0x216: {  	[sflag:s12] =	ssyncadd.s32 @!p0 $0xFFFD8F00  }
0x217: {  	_ =	sfence.sel $0x180000  }
0x218: {  	[bflag:$0x0] =	sbarrier.arrive $0xFFFF  }
0x219: {  	_ =	strace $0x90000047  }
0x21a: {  	[bflag:$0x2] =	sbarrier.arrive $0xFFFF  }
0x21b: {  	s0 =	rddreg [dreg:$0x4]  }
0x21c: {  	s0 =	sadd.s32 @!p0 $0x100000, s0  }
0x21d: {  	[sflag:s0] =	ssyncadd.tile.s32 @!p0 $0x1;
	_ =	shalt  }
.Lfunc_end2:
_tile_overlayer_lowered:
.L_overlay_start_2:
0x21e: {  	(tag) =	ssettag $0x2  }
0x21f: {  	s0 =	rddreg [dreg:$0x0];
	s2 =	stileid.u32  }
0x220: {  	s1 =	rddreg [dreg:$0x1];
	p0 =	sne.s32 s2, $0x0  }
0x221: {  	s3 =	rddreg [dreg:$0x2];
	[bflag:$0x3] =	sbarrier.arrive $0xFFFF;
	s2 =	simm.s32 @!p0 $0x1C09  }
0x222: {  	[timem:s3], [sflag:s2] =	dma.local @!p0 [hbm:s0], s1  }
0x223: {  	s0 =	simm.s32 @!p0 $0x9  }
0x224: {  	_ =	swait.ge @!p0 [sflag:s0], s1  }
0x225: {  	s1 =	ssub.s32 @!p0 $0x0, s1;
	[sflag:s0] =	ssyncset.done @!p0 $0x0  }
0x226: {  	[sflag:s0] =	ssyncadd.s32 @!p0 s1  }
0x227: {  	[bflag:$0x3] =	sbarrier.arrive $0xFFFF  }
0x228: {  	_ =	shalt  }

</sc_bundles>
